<compile_context>
chip_gen: v7x
topology: tpu7x:2x2x1
jax: 0.10.2.dev20260603
libtpu: 0.0.44.dev20260713+nightly
codegen_flags: <defaults>
</compile_context>

<pallas_src>
import functools

import jax
import jax.numpy as jnp
from jax import lax
from jax.experimental import pallas as pl
from jax.experimental.pallas import tpu as pltpu
from jax.experimental.pallas import tpu_sc as plsc

NC = 2
NS = 16
L = 16
NW = NC * NS

B = 16384
D = 64
BPW = B // NW
CHUNK = 128
NCHUNK = BPW // CHUNK

MV_BLK = 16384


def _matvec_body(w_ref, t_ref, o_ref):
    o_ref[...] = lax.dot_general(
        w_ref[...], t_ref[...], (((1,), (0,)), ((), ())),
        preferred_element_type=jnp.float32).reshape(o_ref.shape)


def _scores(t_T, w_row):
    n = t_T.shape[1]
    blk = min(MV_BLK, n)
    grid = pl.cdiv(n, blk)
    out = pl.pallas_call(
        _matvec_body,
        grid=(grid,),
        in_specs=[
            pl.BlockSpec((1, D), lambda i: (0, 0)),
            pl.BlockSpec((D, blk), lambda i: (0, i)),
        ],
        out_specs=pl.BlockSpec((blk,), lambda i: (i,)),
        out_shape=jax.ShapeDtypeStruct((n,), jnp.float32),
    )(w_row, t_T)
    return out


def _matvec2_body(w_ref, tu_ref, ti_ref, ou_ref, oi_ref):
    ou_ref[...] = lax.dot_general(
        w_ref[0:1], tu_ref[...], (((1,), (0,)), ((), ())),
        preferred_element_type=jnp.float32).reshape(ou_ref.shape)
    oi_ref[...] = lax.dot_general(
        w_ref[1:2], ti_ref[...], (((1,), (0,)), ((), ())),
        preferred_element_type=jnp.float32).reshape(oi_ref.shape)


def _scores2(tu_T, ti_T, w2):
    n = tu_T.shape[1]
    blk = MV_BLK
    grid = pl.cdiv(n, blk)
    shape = jax.ShapeDtypeStruct((n,), jnp.float32)
    return pl.pallas_call(
        _matvec2_body,
        grid=(grid,),
        in_specs=[
            pl.BlockSpec((2, D), lambda i: (0, 0)),
            pl.BlockSpec((D, blk), lambda i: (0, i)),
            pl.BlockSpec((D, blk), lambda i: (0, i)),
        ],
        out_specs=[pl.BlockSpec((blk,), lambda i: (i,)),
                   pl.BlockSpec((blk,), lambda i: (i,))],
        out_shape=[shape, shape],
    )(w2, tu_T, ti_T)


@functools.cache
def _build_combine():
    mesh = plsc.VectorSubcoreMesh(core_axis_name="c", subcore_axis_name="s",
                                  num_cores=NC, num_subcores=NS)

    @functools.partial(
        pl.kernel,
        out_type=jax.ShapeDtypeStruct((B,), jnp.float32),
        mesh=mesh,
        scratch_types=[
            pltpu.VMEM((NCHUNK, CHUNK), jnp.int32),
            pltpu.VMEM((NCHUNK, CHUNK), jnp.int32),
            pltpu.VMEM((NCHUNK, CHUNK), jnp.int32),
            pltpu.VMEM((BPW,), jnp.float32),
            pltpu.VMEM((BPW,), jnp.float32),
            pltpu.VMEM((BPW,), jnp.float32),
            pltpu.VMEM((L,), jnp.float32),
            pltpu.VMEM((BPW,), jnp.float32),
            pltpu.SemaphoreType.DMA,
        ],
        compiler_params=pltpu.CompilerParams(needs_layout_passes=False,
                                             use_tc_tiling_on_sc=False),
    )
    def _combine(user_hbm, item_hbm, cat_hbm, su_hbm, si_hbm, sc_hbm,
                 bias_hbm, out_hbm,
                 uidx, iidx, cidx, su_v, si_v, sc_v, bias_vm, out_v, sem):
        wid = lax.axis_index("s") * NC + lax.axis_index("c")
        base = wid * BPW

        idx_copies = [
            pltpu.async_copy(user_hbm.at[wid], uidx, sem),
            pltpu.async_copy(item_hbm.at[wid], iidx, sem),
            pltpu.async_copy(cat_hbm.at[wid], cidx, sem),
            pltpu.async_copy(bias_hbm, bias_vm, sem),
        ]
        for cp in idx_copies:
            cp.wait()

        copies = []
        for j in range(NCHUNK):
            sl = pl.ds(j * CHUNK, CHUNK)
            copies.append(pltpu.async_copy(su_hbm.at[uidx.at[j]],
                                           su_v.at[sl], sem))
            copies.append(pltpu.async_copy(si_hbm.at[iidx.at[j]],
                                           si_v.at[sl], sem))
            copies.append(pltpu.async_copy(sc_hbm.at[cidx.at[j]],
                                           sc_v.at[sl], sem))
        for cp in copies:
            cp.wait()

        bias_v = bias_vm[...]

        def group_body(g, carry):
            sl = pl.ds(pl.multiple_of(g * L, L), L)
            logit = su_v[sl] + si_v[sl] + sc_v[sl] + bias_v
            out_v[sl] = 1.0 / (1.0 + jnp.exp(-logit))
            return carry

        lax.fori_loop(0, BPW // L, group_body, 0)

        pltpu.sync_copy(out_v, out_hbm.at[pl.ds(base, BPW)])

    return _combine


def kernel(user, item, category, user_table, item_table, category_table,
           fc_w, fc_b):
    user = user.astype(jnp.int32).reshape(NW, NCHUNK, CHUNK)
    item = item.astype(jnp.int32).reshape(NW, NCHUNK, CHUNK)
    category = category.astype(jnp.int32).reshape(NW, NCHUNK, CHUNK)
    w = fc_w.reshape(3 * D)
    s_u, s_i = _scores2(user_table.T, item_table.T, w[0:2 * D].reshape(2, D))
    s_c = _scores(category_table.T, w[2 * D:3 * D].reshape(1, D))
    bias = jnp.broadcast_to(fc_b.reshape(()), (L,))
    return _build_combine()(user, item, category, s_u, s_i, s_c, bias)

# --- scband reference (transcript-rebuilt; emitter-appended) ---
"""Pipeline reference for scband-recommender-74861279969770 (READ-ONLY COPY).

The authoritative reference and input builder live on the scoring server;
editing this copy changes nothing except your own understanding.
"""

import jax, jax.numpy as jnp
import numpy as np

N_USERS = 1000000
N_ITEMS = 1000000
N_CATEGORIES = 1000
EMBED_DIM = 64
BATCH = 16384

def setup_inputs(seed: int = 0) -> dict:
    key = jax.random.key(seed)
    k1, k2, k3, k4, k5, k6, k7, k8 = jax.random.split(key, 8)
    user = jax.random.randint(k1, (BATCH,), 0, N_USERS, dtype=jnp.int64 if jax.config.read('jax_enable_x64') else jnp.int32)
    item = jax.random.randint(k2, (BATCH,), 0, N_ITEMS, dtype=jnp.int64 if jax.config.read('jax_enable_x64') else jnp.int32)
    category = jax.random.randint(k3, (BATCH,), 0, N_CATEGORIES, dtype=jnp.int64 if jax.config.read('jax_enable_x64') else jnp.int32)
    user_table = jax.random.normal(k4, (N_USERS, EMBED_DIM), dtype=jnp.float32)
    item_table = jax.random.normal(k5, (N_ITEMS, EMBED_DIM), dtype=jnp.float32)
    category_table = jax.random.normal(k6, (N_CATEGORIES, EMBED_DIM), dtype=jnp.float32)
    # fc: Linear(3*embed_dim, 1) -> weight [1, 3*E], bias [1]; store as [3*E, 1] for matmul
    fc_w = jax.random.normal(k7, (3 * EMBED_DIM, 1), dtype=jnp.float32) * (1.0 / np.sqrt(3 * EMBED_DIM))
    fc_b = jax.random.normal(k8, (1,), dtype=jnp.float32) * 0.01
    return {
        'user': user, 'item': item, 'category': category,
        'user_table': user_table, 'item_table': item_table,
        'category_table': category_table, 'fc_w': fc_w, 'fc_b': fc_b,
    }

def reference(user, item, category, user_table, item_table, category_table, fc_w, fc_b):
    u = jnp.take(user_table, user, axis=0)
    i = jnp.take(item_table, item, axis=0)
    c = jnp.take(category_table, category, axis=0)
    combined = jnp.concatenate([u, i, c], axis=1)
    logits = combined @ fc_w + fc_b
    return jax.nn.sigmoid(logits).squeeze()

if __name__ == "__main__":
    import jax
    _d = setup_inputs()
    print(jax.jit(kernel)(*tuple(_d.values())))

</pallas_src>

<mosaic_0001>
#map = affine_map<(d0, d1) -> (0, 0, 0)>
#map1 = affine_map<(d0, d1) -> (0)>
module attributes {stable_mosaic.version = 14 : i64} {
  func.func @_combine(%arg0: i32, %arg1: i32, %arg2: memref<32x4x128xi32, #tpu.memory_space<hbm>>, %arg3: memref<32x4x128xi32, #tpu.memory_space<hbm>>, %arg4: memref<32x4x128xi32, #tpu.memory_space<hbm>>, %arg5: memref<1000000xf32, #tpu.memory_space<hbm>>, %arg6: memref<1000000xf32, #tpu.memory_space<hbm>>, %arg7: memref<1000xf32, #tpu.memory_space<hbm>>, %arg8: memref<16xf32, #tpu.memory_space<hbm>>, %arg9: memref<16384xf32, #tpu.memory_space<hbm>>, %arg10: memref<4x128xi32, #tpu.memory_space<vmem>>, %arg11: memref<4x128xi32, #tpu.memory_space<vmem>>, %arg12: memref<4x128xi32, #tpu.memory_space<vmem>>, %arg13: memref<512xf32, #tpu.memory_space<vmem>>, %arg14: memref<512xf32, #tpu.memory_space<vmem>>, %arg15: memref<512xf32, #tpu.memory_space<vmem>>, %arg16: memref<16xf32, #tpu.memory_space<vmem>>, %arg17: memref<512xf32, #tpu.memory_space<vmem>>, %arg18: memref<!tpu.dma_semaphore, #tpu.memory_space<semaphore_mem>>) attributes {dimension_semantics = [#tpu.dimension_semantics<core_parallel>, #tpu.dimension_semantics<subcore_parallel>], iteration_bounds = array<i64: 2, 16>, scalar_prefetch = 0 : i64, scratch_operands = 9 : i64, tpu.core_type = #tpu.core_type<sc_vector_subcore>, window_params = [{transform_indices = #map}, {transform_indices = #map}, {transform_indices = #map}, {transform_indices = #map1}, {transform_indices = #map1}, {transform_indices = #map1}, {transform_indices = #map1}, {transform_indices = #map1}]} {
    %mul3A = arith.constant 2 : i32
    %mul3A_0 = arith.muli %arg1, %mul3A : i32
    %add3A = arith.addi %mul3A_0, %arg0 : i32
    %mul3A_1 = arith.constant 512 : i32
    %mul3A_2 = arith.muli %add3A, %mul3A_1 : i32
    %dma_start3A = arith.constant 0 : i32
    %dma_start3A_3 = arith.constant 0 : i32
    %dma_start3A_4 = tpu.memref_slice %arg2[%add3A, %dma_start3A, %dma_start3A_3] : memref<32x4x128xi32, #tpu.memory_space<hbm>> -> memref<1x4x128xi32, #tpu.memory_space<hbm>>
    %dma_start3A_5 = tpu.memref_squeeze %dma_start3A_4 : memref<1x4x128xi32, #tpu.memory_space<hbm>> -> memref<4x128xi32, #tpu.memory_space<hbm>>
    %dma_start3A_6 = arith.constant 0 : i32
    %dma_start3A_7 = arith.constant 0 : i32
    %dma_start3A_8 = tpu.memref_slice %arg2[%add3A, %dma_start3A_6, %dma_start3A_7] : memref<32x4x128xi32, #tpu.memory_space<hbm>> -> memref<1x4x128xi32, #tpu.memory_space<hbm>>
    %dma_start3A_9 = tpu.memref_squeeze %dma_start3A_8 : memref<1x4x128xi32, #tpu.memory_space<hbm>> -> memref<4x128xi32, #tpu.memory_space<hbm>>
    tpu.enqueue_dma source(%dma_start3A_9 : memref<4x128xi32, #tpu.memory_space<hbm>>) target(%arg10 : memref<4x128xi32, #tpu.memory_space<vmem>>) target_semaphore(%arg18 : memref<!tpu.dma_semaphore, #tpu.memory_space<semaphore_mem>>)
    %dma_start3A_10 = arith.constant 0 : i32
    %dma_start3A_11 = arith.constant 0 : i32
    %dma_start3A_12 = tpu.memref_slice %arg3[%add3A, %dma_start3A_10, %dma_start3A_11] : memref<32x4x128xi32, #tpu.memory_space<hbm>> -> memref<1x4x128xi32, #tpu.memory_space<hbm>>
    %dma_start3A_13 = tpu.memref_squeeze %dma_start3A_12 : memref<1x4x128xi32, #tpu.memory_space<hbm>> -> memref<4x128xi32, #tpu.memory_space<hbm>>
    %dma_start3A_14 = arith.constant 0 : i32
    %dma_start3A_15 = arith.constant 0 : i32
    %dma_start3A_16 = tpu.memref_slice %arg3[%add3A, %dma_start3A_14, %dma_start3A_15] : memref<32x4x128xi32, #tpu.memory_space<hbm>> -> memref<1x4x128xi32, #tpu.memory_space<hbm>>
    %dma_start3A_17 = tpu.memref_squeeze %dma_start3A_16 : memref<1x4x128xi32, #tpu.memory_space<hbm>> -> memref<4x128xi32, #tpu.memory_space<hbm>>
    tpu.enqueue_dma source(%dma_start3A_17 : memref<4x128xi32, #tpu.memory_space<hbm>>) target(%arg11 : memref<4x128xi32, #tpu.memory_space<vmem>>) target_semaphore(%arg18 : memref<!tpu.dma_semaphore, #tpu.memory_space<semaphore_mem>>)
    %dma_start3A_18 = arith.constant 0 : i32
    %dma_start3A_19 = arith.constant 0 : i32
    %dma_start3A_20 = tpu.memref_slice %arg4[%add3A, %dma_start3A_18, %dma_start3A_19] : memref<32x4x128xi32, #tpu.memory_space<hbm>> -> memref<1x4x128xi32, #tpu.memory_space<hbm>>
    %dma_start3A_21 = tpu.memref_squeeze %dma_start3A_20 : memref<1x4x128xi32, #tpu.memory_space<hbm>> -> memref<4x128xi32, #tpu.memory_space<hbm>>
    %dma_start3A_22 = arith.constant 0 : i32
    %dma_start3A_23 = arith.constant 0 : i32
    %dma_start3A_24 = tpu.memref_slice %arg4[%add3A, %dma_start3A_22, %dma_start3A_23] : memref<32x4x128xi32, #tpu.memory_space<hbm>> -> memref<1x4x128xi32, #tpu.memory_space<hbm>>
    %dma_start3A_25 = tpu.memref_squeeze %dma_start3A_24 : memref<1x4x128xi32, #tpu.memory_space<hbm>> -> memref<4x128xi32, #tpu.memory_space<hbm>>
    tpu.enqueue_dma source(%dma_start3A_25 : memref<4x128xi32, #tpu.memory_space<hbm>>) target(%arg12 : memref<4x128xi32, #tpu.memory_space<vmem>>) target_semaphore(%arg18 : memref<!tpu.dma_semaphore, #tpu.memory_space<semaphore_mem>>)
    tpu.enqueue_dma source(%arg8 : memref<16xf32, #tpu.memory_space<hbm>>) target(%arg16 : memref<16xf32, #tpu.memory_space<vmem>>) target_semaphore(%arg18 : memref<!tpu.dma_semaphore, #tpu.memory_space<semaphore_mem>>)
    %dma_wait3A = arith.constant 0 : i32
    %dma_wait3A_26 = arith.constant 0 : i32
    %dma_wait3A_27 = tpu.memref_slice %arg2[%add3A, %dma_wait3A, %dma_wait3A_26] : memref<32x4x128xi32, #tpu.memory_space<hbm>> -> memref<1x4x128xi32, #tpu.memory_space<hbm>>
    %dma_wait3A_28 = tpu.memref_squeeze %dma_wait3A_27 : memref<1x4x128xi32, #tpu.memory_space<hbm>> -> memref<4x128xi32, #tpu.memory_space<hbm>>
    %dma_wait3A_29 = arith.constant 0 : i32
    %dma_wait3A_30 = arith.constant 0 : i32
    %dma_wait3A_31 = tpu.memref_slice %arg2[%add3A, %dma_wait3A_29, %dma_wait3A_30] : memref<32x4x128xi32, #tpu.memory_space<hbm>> -> memref<1x4x128xi32, #tpu.memory_space<hbm>>
    %dma_wait3A_32 = tpu.memref_squeeze %dma_wait3A_31 : memref<1x4x128xi32, #tpu.memory_space<hbm>> -> memref<4x128xi32, #tpu.memory_space<hbm>>
    tpu.wait_dma2 semaphore(%arg18 : memref<!tpu.dma_semaphore, #tpu.memory_space<semaphore_mem>>) src(%dma_wait3A_32 : memref<4x128xi32, #tpu.memory_space<hbm>>) dst(%arg10 : memref<4x128xi32, #tpu.memory_space<vmem>>)
    %dma_wait3A_33 = arith.constant 0 : i32
    %dma_wait3A_34 = arith.constant 0 : i32
    %dma_wait3A_35 = tpu.memref_slice %arg3[%add3A, %dma_wait3A_33, %dma_wait3A_34] : memref<32x4x128xi32, #tpu.memory_space<hbm>> -> memref<1x4x128xi32, #tpu.memory_space<hbm>>
    %dma_wait3A_36 = tpu.memref_squeeze %dma_wait3A_35 : memref<1x4x128xi32, #tpu.memory_space<hbm>> -> memref<4x128xi32, #tpu.memory_space<hbm>>
    %dma_wait3A_37 = arith.constant 0 : i32
    %dma_wait3A_38 = arith.constant 0 : i32
    %dma_wait3A_39 = tpu.memref_slice %arg3[%add3A, %dma_wait3A_37, %dma_wait3A_38] : memref<32x4x128xi32, #tpu.memory_space<hbm>> -> memref<1x4x128xi32, #tpu.memory_space<hbm>>
    %dma_wait3A_40 = tpu.memref_squeeze %dma_wait3A_39 : memref<1x4x128xi32, #tpu.memory_space<hbm>> -> memref<4x128xi32, #tpu.memory_space<hbm>>
    tpu.wait_dma2 semaphore(%arg18 : memref<!tpu.dma_semaphore, #tpu.memory_space<semaphore_mem>>) src(%dma_wait3A_40 : memref<4x128xi32, #tpu.memory_space<hbm>>) dst(%arg11 : memref<4x128xi32, #tpu.memory_space<vmem>>)
    %dma_wait3A_41 = arith.constant 0 : i32
    %dma_wait3A_42 = arith.constant 0 : i32
    %dma_wait3A_43 = tpu.memref_slice %arg4[%add3A, %dma_wait3A_41, %dma_wait3A_42] : memref<32x4x128xi32, #tpu.memory_space<hbm>> -> memref<1x4x128xi32, #tpu.memory_space<hbm>>
    %dma_wait3A_44 = tpu.memref_squeeze %dma_wait3A_43 : memref<1x4x128xi32, #tpu.memory_space<hbm>> -> memref<4x128xi32, #tpu.memory_space<hbm>>
    %dma_wait3A_45 = arith.constant 0 : i32
    %dma_wait3A_46 = arith.constant 0 : i32
    %dma_wait3A_47 = tpu.memref_slice %arg4[%add3A, %dma_wait3A_45, %dma_wait3A_46] : memref<32x4x128xi32, #tpu.memory_space<hbm>> -> memref<1x4x128xi32, #tpu.memory_space<hbm>>
    %dma_wait3A_48 = tpu.memref_squeeze %dma_wait3A_47 : memref<1x4x128xi32, #tpu.memory_space<hbm>> -> memref<4x128xi32, #tpu.memory_space<hbm>>
    tpu.wait_dma2 semaphore(%arg18 : memref<!tpu.dma_semaphore, #tpu.memory_space<semaphore_mem>>) src(%dma_wait3A_48 : memref<4x128xi32, #tpu.memory_space<hbm>>) dst(%arg12 : memref<4x128xi32, #tpu.memory_space<vmem>>)
    tpu.wait_dma2 semaphore(%arg18 : memref<!tpu.dma_semaphore, #tpu.memory_space<semaphore_mem>>) src(%arg8 : memref<16xf32, #tpu.memory_space<hbm>>) dst(%arg16 : memref<16xf32, #tpu.memory_space<vmem>>)
    %dma_start3A_49 = arith.constant 0 : i32
    %dma_start3A_50 = arith.constant 0 : i32
    %dma_start3A_51 = tpu.memref_slice %arg13[%dma_start3A_50] : memref<512xf32, #tpu.memory_space<vmem>> -> memref<128xf32, #tpu.memory_space<vmem>>
    %dma_start3A_52 = arith.constant 0 : i32
    %dma_start3A_53 = tpu.memref_slice %arg10[%dma_start3A_49, %dma_start3A_52] : memref<4x128xi32, #tpu.memory_space<vmem>> -> memref<1x128xi32, #tpu.memory_space<vmem>>
    %dma_start3A_54 = tpu.memref_squeeze %dma_start3A_53 : memref<1x128xi32, #tpu.memory_space<vmem>> -> memref<128xi32, #tpu.memory_space<vmem>>
    %dma_start3A_55 = arith.constant 0 : i32
    %dma_start3A_56 = tpu.memref_slice %arg5[%dma_start3A_55] : memref<1000000xf32, #tpu.memory_space<hbm>> -> memref<1000000xf32, #tpu.memory_space<hbm>>
    tpu.enqueue_indirect_dma source(%dma_start3A_56 : memref<1000000xf32, #tpu.memory_space<hbm>>) target(%dma_start3A_51 : memref<128xf32, #tpu.memory_space<vmem>>) offsets(%dma_start3A_54 : memref<128xi32, #tpu.memory_space<vmem>>) semaphore(%arg18 : memref<!tpu.dma_semaphore, #tpu.memory_space<semaphore_mem>>)
    %dma_start3A_57 = arith.constant 0 : i32
    %dma_start3A_58 = arith.constant 0 : i32
    %dma_start3A_59 = tpu.memref_slice %arg14[%dma_start3A_58] : memref<512xf32, #tpu.memory_space<vmem>> -> memref<128xf32, #tpu.memory_space<vmem>>
    %dma_start3A_60 = arith.constant 0 : i32
    %dma_start3A_61 = tpu.memref_slice %arg11[%dma_start3A_57, %dma_start3A_60] : memref<4x128xi32, #tpu.memory_space<vmem>> -> memref<1x128xi32, #tpu.memory_space<vmem>>
    %dma_start3A_62 = tpu.memref_squeeze %dma_start3A_61 : memref<1x128xi32, #tpu.memory_space<vmem>> -> memref<128xi32, #tpu.memory_space<vmem>>
    %dma_start3A_63 = arith.constant 0 : i32
    %dma_start3A_64 = tpu.memref_slice %arg6[%dma_start3A_63] : memref<1000000xf32, #tpu.memory_space<hbm>> -> memref<1000000xf32, #tpu.memory_space<hbm>>
    tpu.enqueue_indirect_dma source(%dma_start3A_64 : memref<1000000xf32, #tpu.memory_space<hbm>>) target(%dma_start3A_59 : memref<128xf32, #tpu.memory_space<vmem>>) offsets(%dma_start3A_62 : memref<128xi32, #tpu.memory_space<vmem>>) semaphore(%arg18 : memref<!tpu.dma_semaphore, #tpu.memory_space<semaphore_mem>>)
    %dma_start3A_65 = arith.constant 0 : i32
    %dma_start3A_66 = arith.constant 0 : i32
    %dma_start3A_67 = tpu.memref_slice %arg15[%dma_start3A_66] : memref<512xf32, #tpu.memory_space<vmem>> -> memref<128xf32, #tpu.memory_space<vmem>>
    %dma_start3A_68 = arith.constant 0 : i32
    %dma_start3A_69 = tpu.memref_slice %arg12[%dma_start3A_65, %dma_start3A_68] : memref<4x128xi32, #tpu.memory_space<vmem>> -> memref<1x128xi32, #tpu.memory_space<vmem>>
    %dma_start3A_70 = tpu.memref_squeeze %dma_start3A_69 : memref<1x128xi32, #tpu.memory_space<vmem>> -> memref<128xi32, #tpu.memory_space<vmem>>
    %dma_start3A_71 = arith.constant 0 : i32
    %dma_start3A_72 = tpu.memref_slice %arg7[%dma_start3A_71] : memref<1000xf32, #tpu.memory_space<hbm>> -> memref<1000xf32, #tpu.memory_space<hbm>>
    tpu.enqueue_indirect_dma source(%dma_start3A_72 : memref<1000xf32, #tpu.memory_space<hbm>>) target(%dma_start3A_67 : memref<128xf32, #tpu.memory_space<vmem>>) offsets(%dma_start3A_70 : memref<128xi32, #tpu.memory_space<vmem>>) semaphore(%arg18 : memref<!tpu.dma_semaphore, #tpu.memory_space<semaphore_mem>>)
    %dma_start3A_73 = arith.constant 1 : i32
    %dma_start3A_74 = arith.constant 128 : i32
    %dma_start3A_75 = tpu.memref_slice %arg13[%dma_start3A_74] : memref<512xf32, #tpu.memory_space<vmem>> -> memref<128xf32, #tpu.memory_space<vmem>>
    %dma_start3A_76 = arith.constant 0 : i32
    %dma_start3A_77 = tpu.memref_slice %arg10[%dma_start3A_73, %dma_start3A_76] : memref<4x128xi32, #tpu.memory_space<vmem>> -> memref<1x128xi32, #tpu.memory_space<vmem>>
    %dma_start3A_78 = tpu.memref_squeeze %dma_start3A_77 : memref<1x128xi32, #tpu.memory_space<vmem>> -> memref<128xi32, #tpu.memory_space<vmem>>
    %dma_start3A_79 = arith.constant 0 : i32
    %dma_start3A_80 = tpu.memref_slice %arg5[%dma_start3A_79] : memref<1000000xf32, #tpu.memory_space<hbm>> -> memref<1000000xf32, #tpu.memory_space<hbm>>
    tpu.enqueue_indirect_dma source(%dma_start3A_80 : memref<1000000xf32, #tpu.memory_space<hbm>>) target(%dma_start3A_75 : memref<128xf32, #tpu.memory_space<vmem>>) offsets(%dma_start3A_78 : memref<128xi32, #tpu.memory_space<vmem>>) semaphore(%arg18 : memref<!tpu.dma_semaphore, #tpu.memory_space<semaphore_mem>>)
    %dma_start3A_81 = arith.constant 1 : i32
    %dma_start3A_82 = arith.constant 128 : i32
    %dma_start3A_83 = tpu.memref_slice %arg14[%dma_start3A_82] : memref<512xf32, #tpu.memory_space<vmem>> -> memref<128xf32, #tpu.memory_space<vmem>>
    %dma_start3A_84 = arith.constant 0 : i32
    %dma_start3A_85 = tpu.memref_slice %arg11[%dma_start3A_81, %dma_start3A_84] : memref<4x128xi32, #tpu.memory_space<vmem>> -> memref<1x128xi32, #tpu.memory_space<vmem>>
    %dma_start3A_86 = tpu.memref_squeeze %dma_start3A_85 : memref<1x128xi32, #tpu.memory_space<vmem>> -> memref<128xi32, #tpu.memory_space<vmem>>
    %dma_start3A_87 = arith.constant 0 : i32
    %dma_start3A_88 = tpu.memref_slice %arg6[%dma_start3A_87] : memref<1000000xf32, #tpu.memory_space<hbm>> -> memref<1000000xf32, #tpu.memory_space<hbm>>
    tpu.enqueue_indirect_dma source(%dma_start3A_88 : memref<1000000xf32, #tpu.memory_space<hbm>>) target(%dma_start3A_83 : memref<128xf32, #tpu.memory_space<vmem>>) offsets(%dma_start3A_86 : memref<128xi32, #tpu.memory_space<vmem>>) semaphore(%arg18 : memref<!tpu.dma_semaphore, #tpu.memory_space<semaphore_mem>>)
    %dma_start3A_89 = arith.constant 1 : i32
    %dma_start3A_90 = arith.constant 128 : i32
    %dma_start3A_91 = tpu.memref_slice %arg15[%dma_start3A_90] : memref<512xf32, #tpu.memory_space<vmem>> -> memref<128xf32, #tpu.memory_space<vmem>>
    %dma_start3A_92 = arith.constant 0 : i32
    %dma_start3A_93 = tpu.memref_slice %arg12[%dma_start3A_89, %dma_start3A_92] : memref<4x128xi32, #tpu.memory_space<vmem>> -> memref<1x128xi32, #tpu.memory_space<vmem>>
    %dma_start3A_94 = tpu.memref_squeeze %dma_start3A_93 : memref<1x128xi32, #tpu.memory_space<vmem>> -> memref<128xi32, #tpu.memory_space<vmem>>
    %dma_start3A_95 = arith.constant 0 : i32
    %dma_start3A_96 = tpu.memref_slice %arg7[%dma_start3A_95] : memref<1000xf32, #tpu.memory_space<hbm>> -> memref<1000xf32, #tpu.memory_space<hbm>>
    tpu.enqueue_indirect_dma source(%dma_start3A_96 : memref<1000xf32, #tpu.memory_space<hbm>>) target(%dma_start3A_91 : memref<128xf32, #tpu.memory_space<vmem>>) offsets(%dma_start3A_94 : memref<128xi32, #tpu.memory_space<vmem>>) semaphore(%arg18 : memref<!tpu.dma_semaphore, #tpu.memory_space<semaphore_mem>>)
    %dma_start3A_97 = arith.constant 2 : i32
    %dma_start3A_98 = arith.constant 256 : i32
    %dma_start3A_99 = tpu.memref_slice %arg13[%dma_start3A_98] : memref<512xf32, #tpu.memory_space<vmem>> -> memref<128xf32, #tpu.memory_space<vmem>>
    %dma_start3A_100 = arith.constant 0 : i32
    %dma_start3A_101 = tpu.memref_slice %arg10[%dma_start3A_97, %dma_start3A_100] : memref<4x128xi32, #tpu.memory_space<vmem>> -> memref<1x128xi32, #tpu.memory_space<vmem>>
    %dma_start3A_102 = tpu.memref_squeeze %dma_start3A_101 : memref<1x128xi32, #tpu.memory_space<vmem>> -> memref<128xi32, #tpu.memory_space<vmem>>
    %dma_start3A_103 = arith.constant 0 : i32
    %dma_start3A_104 = tpu.memref_slice %arg5[%dma_start3A_103] : memref<1000000xf32, #tpu.memory_space<hbm>> -> memref<1000000xf32, #tpu.memory_space<hbm>>
    tpu.enqueue_indirect_dma source(%dma_start3A_104 : memref<1000000xf32, #tpu.memory_space<hbm>>) target(%dma_start3A_99 : memref<128xf32, #tpu.memory_space<vmem>>) offsets(%dma_start3A_102 : memref<128xi32, #tpu.memory_space<vmem>>) semaphore(%arg18 : memref<!tpu.dma_semaphore, #tpu.memory_space<semaphore_mem>>)
    %dma_start3A_105 = arith.constant 2 : i32
    %dma_start3A_106 = arith.constant 256 : i32
    %dma_start3A_107 = tpu.memref_slice %arg14[%dma_start3A_106] : memref<512xf32, #tpu.memory_space<vmem>> -> memref<128xf32, #tpu.memory_space<vmem>>
    %dma_start3A_108 = arith.constant 0 : i32
    %dma_start3A_109 = tpu.memref_slice %arg11[%dma_start3A_105, %dma_start3A_108] : memref<4x128xi32, #tpu.memory_space<vmem>> -> memref<1x128xi32, #tpu.memory_space<vmem>>
    %dma_start3A_110 = tpu.memref_squeeze %dma_start3A_109 : memref<1x128xi32, #tpu.memory_space<vmem>> -> memref<128xi32, #tpu.memory_space<vmem>>
    %dma_start3A_111 = arith.constant 0 : i32
    %dma_start3A_112 = tpu.memref_slice %arg6[%dma_start3A_111] : memref<1000000xf32, #tpu.memory_space<hbm>> -> memref<1000000xf32, #tpu.memory_space<hbm>>
    tpu.enqueue_indirect_dma source(%dma_start3A_112 : memref<1000000xf32, #tpu.memory_space<hbm>>) target(%dma_start3A_107 : memref<128xf32, #tpu.memory_space<vmem>>) offsets(%dma_start3A_110 : memref<128xi32, #tpu.memory_space<vmem>>) semaphore(%arg18 : memref<!tpu.dma_semaphore, #tpu.memory_space<semaphore_mem>>)
    %dma_start3A_113 = arith.constant 2 : i32
    %dma_start3A_114 = arith.constant 256 : i32
    %dma_start3A_115 = tpu.memref_slice %arg15[%dma_start3A_114] : memref<512xf32, #tpu.memory_space<vmem>> -> memref<128xf32, #tpu.memory_space<vmem>>
    %dma_start3A_116 = arith.constant 0 : i32
    %dma_start3A_117 = tpu.memref_slice %arg12[%dma_start3A_113, %dma_start3A_116] : memref<4x128xi32, #tpu.memory_space<vmem>> -> memref<1x128xi32, #tpu.memory_space<vmem>>
    %dma_start3A_118 = tpu.memref_squeeze %dma_start3A_117 : memref<1x128xi32, #tpu.memory_space<vmem>> -> memref<128xi32, #tpu.memory_space<vmem>>
    %dma_start3A_119 = arith.constant 0 : i32
    %dma_start3A_120 = tpu.memref_slice %arg7[%dma_start3A_119] : memref<1000xf32, #tpu.memory_space<hbm>> -> memref<1000xf32, #tpu.memory_space<hbm>>
    tpu.enqueue_indirect_dma source(%dma_start3A_120 : memref<1000xf32, #tpu.memory_space<hbm>>) target(%dma_start3A_115 : memref<128xf32, #tpu.memory_space<vmem>>) offsets(%dma_start3A_118 : memref<128xi32, #tpu.memory_space<vmem>>) semaphore(%arg18 : memref<!tpu.dma_semaphore, #tpu.memory_space<semaphore_mem>>)
    %dma_start3A_121 = arith.constant 3 : i32
    %dma_start3A_122 = arith.constant 384 : i32
    %dma_start3A_123 = tpu.memref_slice %arg13[%dma_start3A_122] : memref<512xf32, #tpu.memory_space<vmem>> -> memref<128xf32, #tpu.memory_space<vmem>>
    %dma_start3A_124 = arith.constant 0 : i32
    %dma_start3A_125 = tpu.memref_slice %arg10[%dma_start3A_121, %dma_start3A_124] : memref<4x128xi32, #tpu.memory_space<vmem>> -> memref<1x128xi32, #tpu.memory_space<vmem>>
    %dma_start3A_126 = tpu.memref_squeeze %dma_start3A_125 : memref<1x128xi32, #tpu.memory_space<vmem>> -> memref<128xi32, #tpu.memory_space<vmem>>
    %dma_start3A_127 = arith.constant 0 : i32
    %dma_start3A_128 = tpu.memref_slice %arg5[%dma_start3A_127] : memref<1000000xf32, #tpu.memory_space<hbm>> -> memref<1000000xf32, #tpu.memory_space<hbm>>
    tpu.enqueue_indirect_dma source(%dma_start3A_128 : memref<1000000xf32, #tpu.memory_space<hbm>>) target(%dma_start3A_123 : memref<128xf32, #tpu.memory_space<vmem>>) offsets(%dma_start3A_126 : memref<128xi32, #tpu.memory_space<vmem>>) semaphore(%arg18 : memref<!tpu.dma_semaphore, #tpu.memory_space<semaphore_mem>>)
    %dma_start3A_129 = arith.constant 3 : i32
    %dma_start3A_130 = arith.constant 384 : i32
    %dma_start3A_131 = tpu.memref_slice %arg14[%dma_start3A_130] : memref<512xf32, #tpu.memory_space<vmem>> -> memref<128xf32, #tpu.memory_space<vmem>>
    %dma_start3A_132 = arith.constant 0 : i32
    %dma_start3A_133 = tpu.memref_slice %arg11[%dma_start3A_129, %dma_start3A_132] : memref<4x128xi32, #tpu.memory_space<vmem>> -> memref<1x128xi32, #tpu.memory_space<vmem>>
    %dma_start3A_134 = tpu.memref_squeeze %dma_start3A_133 : memref<1x128xi32, #tpu.memory_space<vmem>> -> memref<128xi32, #tpu.memory_space<vmem>>
    %dma_start3A_135 = arith.constant 0 : i32
    %dma_start3A_136 = tpu.memref_slice %arg6[%dma_start3A_135] : memref<1000000xf32, #tpu.memory_space<hbm>> -> memref<1000000xf32, #tpu.memory_space<hbm>>
    tpu.enqueue_indirect_dma source(%dma_start3A_136 : memref<1000000xf32, #tpu.memory_space<hbm>>) target(%dma_start3A_131 : memref<128xf32, #tpu.memory_space<vmem>>) offsets(%dma_start3A_134 : memref<128xi32, #tpu.memory_space<vmem>>) semaphore(%arg18 : memref<!tpu.dma_semaphore, #tpu.memory_space<semaphore_mem>>)
    %dma_start3A_137 = arith.constant 3 : i32
    %dma_start3A_138 = arith.constant 384 : i32
    %dma_start3A_139 = tpu.memref_slice %arg15[%dma_start3A_138] : memref<512xf32, #tpu.memory_space<vmem>> -> memref<128xf32, #tpu.memory_space<vmem>>
    %dma_start3A_140 = arith.constant 0 : i32
    %dma_start3A_141 = tpu.memref_slice %arg12[%dma_start3A_137, %dma_start3A_140] : memref<4x128xi32, #tpu.memory_space<vmem>> -> memref<1x128xi32, #tpu.memory_space<vmem>>
    %dma_start3A_142 = tpu.memref_squeeze %dma_start3A_141 : memref<1x128xi32, #tpu.memory_space<vmem>> -> memref<128xi32, #tpu.memory_space<vmem>>
    %dma_start3A_143 = arith.constant 0 : i32
    %dma_start3A_144 = tpu.memref_slice %arg7[%dma_start3A_143] : memref<1000xf32, #tpu.memory_space<hbm>> -> memref<1000xf32, #tpu.memory_space<hbm>>
    tpu.enqueue_indirect_dma source(%dma_start3A_144 : memref<1000xf32, #tpu.memory_space<hbm>>) target(%dma_start3A_139 : memref<128xf32, #tpu.memory_space<vmem>>) offsets(%dma_start3A_142 : memref<128xi32, #tpu.memory_space<vmem>>) semaphore(%arg18 : memref<!tpu.dma_semaphore, #tpu.memory_space<semaphore_mem>>)
    %dma_wait3A_145 = arith.constant 0 : i32
    %dma_wait3A_146 = arith.constant 0 : i32
    %dma_wait3A_147 = tpu.memref_slice %arg13[%dma_wait3A_146] : memref<512xf32, #tpu.memory_space<vmem>> -> memref<128xf32, #tpu.memory_space<vmem>>
    %dma_wait3A_148 = arith.constant 0 : i32
    %dma_wait3A_149 = tpu.memref_slice %arg10[%dma_wait3A_145, %dma_wait3A_148] : memref<4x128xi32, #tpu.memory_space<vmem>> -> memref<1x128xi32, #tpu.memory_space<vmem>>
    %dma_wait3A_150 = tpu.memref_squeeze %dma_wait3A_149 : memref<1x128xi32, #tpu.memory_space<vmem>> -> memref<128xi32, #tpu.memory_space<vmem>>
    %dma_wait3A_151 = arith.constant 0 : i32
    %dma_wait3A_152 = tpu.memref_slice %arg5[%dma_wait3A_151] : memref<1000000xf32, #tpu.memory_space<hbm>> -> memref<1000000xf32, #tpu.memory_space<hbm>>
    tpu.wait_indirect_dma semaphore(%arg18 : memref<!tpu.dma_semaphore, #tpu.memory_space<semaphore_mem>>) src(%dma_wait3A_152 : memref<1000000xf32, #tpu.memory_space<hbm>>) dst(%dma_wait3A_147 : memref<128xf32, #tpu.memory_space<vmem>>)
    %dma_wait3A_153 = arith.constant 0 : i32
    %dma_wait3A_154 = arith.constant 0 : i32
    %dma_wait3A_155 = tpu.memref_slice %arg14[%dma_wait3A_154] : memref<512xf32, #tpu.memory_space<vmem>> -> memref<128xf32, #tpu.memory_space<vmem>>
    %dma_wait3A_156 = arith.constant 0 : i32
    %dma_wait3A_157 = tpu.memref_slice %arg11[%dma_wait3A_153, %dma_wait3A_156] : memref<4x128xi32, #tpu.memory_space<vmem>> -> memref<1x128xi32, #tpu.memory_space<vmem>>
    %dma_wait3A_158 = tpu.memref_squeeze %dma_wait3A_157 : memref<1x128xi32, #tpu.memory_space<vmem>> -> memref<128xi32, #tpu.memory_space<vmem>>
    %dma_wait3A_159 = arith.constant 0 : i32
    %dma_wait3A_160 = tpu.memref_slice %arg6[%dma_wait3A_159] : memref<1000000xf32, #tpu.memory_space<hbm>> -> memref<1000000xf32, #tpu.memory_space<hbm>>
    tpu.wait_indirect_dma semaphore(%arg18 : memref<!tpu.dma_semaphore, #tpu.memory_space<semaphore_mem>>) src(%dma_wait3A_160 : memref<1000000xf32, #tpu.memory_space<hbm>>) dst(%dma_wait3A_155 : memref<128xf32, #tpu.memory_space<vmem>>)
    %dma_wait3A_161 = arith.constant 0 : i32
    %dma_wait3A_162 = arith.constant 0 : i32
    %dma_wait3A_163 = tpu.memref_slice %arg15[%dma_wait3A_162] : memref<512xf32, #tpu.memory_space<vmem>> -> memref<128xf32, #tpu.memory_space<vmem>>
    %dma_wait3A_164 = arith.constant 0 : i32
    %dma_wait3A_165 = tpu.memref_slice %arg12[%dma_wait3A_161, %dma_wait3A_164] : memref<4x128xi32, #tpu.memory_space<vmem>> -> memref<1x128xi32, #tpu.memory_space<vmem>>
    %dma_wait3A_166 = tpu.memref_squeeze %dma_wait3A_165 : memref<1x128xi32, #tpu.memory_space<vmem>> -> memref<128xi32, #tpu.memory_space<vmem>>
    %dma_wait3A_167 = arith.constant 0 : i32
    %dma_wait3A_168 = tpu.memref_slice %arg7[%dma_wait3A_167] : memref<1000xf32, #tpu.memory_space<hbm>> -> memref<1000xf32, #tpu.memory_space<hbm>>
    tpu.wait_indirect_dma semaphore(%arg18 : memref<!tpu.dma_semaphore, #tpu.memory_space<semaphore_mem>>) src(%dma_wait3A_168 : memref<1000xf32, #tpu.memory_space<hbm>>) dst(%dma_wait3A_163 : memref<128xf32, #tpu.memory_space<vmem>>)
    %dma_wait3A_169 = arith.constant 1 : i32
    %dma_wait3A_170 = arith.constant 128 : i32
    %dma_wait3A_171 = tpu.memref_slice %arg13[%dma_wait3A_170] : memref<512xf32, #tpu.memory_space<vmem>> -> memref<128xf32, #tpu.memory_space<vmem>>
    %dma_wait3A_172 = arith.constant 0 : i32
    %dma_wait3A_173 = tpu.memref_slice %arg10[%dma_wait3A_169, %dma_wait3A_172] : memref<4x128xi32, #tpu.memory_space<vmem>> -> memref<1x128xi32, #tpu.memory_space<vmem>>
    %dma_wait3A_174 = tpu.memref_squeeze %dma_wait3A_173 : memref<1x128xi32, #tpu.memory_space<vmem>> -> memref<128xi32, #tpu.memory_space<vmem>>
    %dma_wait3A_175 = arith.constant 0 : i32
    %dma_wait3A_176 = tpu.memref_slice %arg5[%dma_wait3A_175] : memref<1000000xf32, #tpu.memory_space<hbm>> -> memref<1000000xf32, #tpu.memory_space<hbm>>
    tpu.wait_indirect_dma semaphore(%arg18 : memref<!tpu.dma_semaphore, #tpu.memory_space<semaphore_mem>>) src(%dma_wait3A_176 : memref<1000000xf32, #tpu.memory_space<hbm>>) dst(%dma_wait3A_171 : memref<128xf32, #tpu.memory_space<vmem>>)
    %dma_wait3A_177 = arith.constant 1 : i32
    %dma_wait3A_178 = arith.constant 128 : i32
    %dma_wait3A_179 = tpu.memref_slice %arg14[%dma_wait3A_178] : memref<512xf32, #tpu.memory_space<vmem>> -> memref<128xf32, #tpu.memory_space<vmem>>
    %dma_wait3A_180 = arith.constant 0 : i32
    %dma_wait3A_181 = tpu.memref_slice %arg11[%dma_wait3A_177, %dma_wait3A_180] : memref<4x128xi32, #tpu.memory_space<vmem>> -> memref<1x128xi32, #tpu.memory_space<vmem>>
    %dma_wait3A_182 = tpu.memref_squeeze %dma_wait3A_181 : memref<1x128xi32, #tpu.memory_space<vmem>> -> memref<128xi32, #tpu.memory_space<vmem>>
    %dma_wait3A_183 = arith.constant 0 : i32
    %dma_wait3A_184 = tpu.memref_slice %arg6[%dma_wait3A_183] : memref<1000000xf32, #tpu.memory_space<hbm>> -> memref<1000000xf32, #tpu.memory_space<hbm>>
    tpu.wait_indirect_dma semaphore(%arg18 : memref<!tpu.dma_semaphore, #tpu.memory_space<semaphore_mem>>) src(%dma_wait3A_184 : memref<1000000xf32, #tpu.memory_space<hbm>>) dst(%dma_wait3A_179 : memref<128xf32, #tpu.memory_space<vmem>>)
    %dma_wait3A_185 = arith.constant 1 : i32
    %dma_wait3A_186 = arith.constant 128 : i32
    %dma_wait3A_187 = tpu.memref_slice %arg15[%dma_wait3A_186] : memref<512xf32, #tpu.memory_space<vmem>> -> memref<128xf32, #tpu.memory_space<vmem>>
    %dma_wait3A_188 = arith.constant 0 : i32
    %dma_wait3A_189 = tpu.memref_slice %arg12[%dma_wait3A_185, %dma_wait3A_188] : memref<4x128xi32, #tpu.memory_space<vmem>> -> memref<1x128xi32, #tpu.memory_space<vmem>>
    %dma_wait3A_190 = tpu.memref_squeeze %dma_wait3A_189 : memref<1x128xi32, #tpu.memory_space<vmem>> -> memref<128xi32, #tpu.memory_space<vmem>>
    %dma_wait3A_191 = arith.constant 0 : i32
    %dma_wait3A_192 = tpu.memref_slice %arg7[%dma_wait3A_191] : memref<1000xf32, #tpu.memory_space<hbm>> -> memref<1000xf32, #tpu.memory_space<hbm>>
    tpu.wait_indirect_dma semaphore(%arg18 : memref<!tpu.dma_semaphore, #tpu.memory_space<semaphore_mem>>) src(%dma_wait3A_192 : memref<1000xf32, #tpu.memory_space<hbm>>) dst(%dma_wait3A_187 : memref<128xf32, #tpu.memory_space<vmem>>)
    %dma_wait3A_193 = arith.constant 2 : i32
    %dma_wait3A_194 = arith.constant 256 : i32
    %dma_wait3A_195 = tpu.memref_slice %arg13[%dma_wait3A_194] : memref<512xf32, #tpu.memory_space<vmem>> -> memref<128xf32, #tpu.memory_space<vmem>>
    %dma_wait3A_196 = arith.constant 0 : i32
    %dma_wait3A_197 = tpu.memref_slice %arg10[%dma_wait3A_193, %dma_wait3A_196] : memref<4x128xi32, #tpu.memory_space<vmem>> -> memref<1x128xi32, #tpu.memory_space<vmem>>
    %dma_wait3A_198 = tpu.memref_squeeze %dma_wait3A_197 : memref<1x128xi32, #tpu.memory_space<vmem>> -> memref<128xi32, #tpu.memory_space<vmem>>
    %dma_wait3A_199 = arith.constant 0 : i32
    %dma_wait3A_200 = tpu.memref_slice %arg5[%dma_wait3A_199] : memref<1000000xf32, #tpu.memory_space<hbm>> -> memref<1000000xf32, #tpu.memory_space<hbm>>
    tpu.wait_indirect_dma semaphore(%arg18 : memref<!tpu.dma_semaphore, #tpu.memory_space<semaphore_mem>>) src(%dma_wait3A_200 : memref<1000000xf32, #tpu.memory_space<hbm>>) dst(%dma_wait3A_195 : memref<128xf32, #tpu.memory_space<vmem>>)
    %dma_wait3A_201 = arith.constant 2 : i32
    %dma_wait3A_202 = arith.constant 256 : i32
    %dma_wait3A_203 = tpu.memref_slice %arg14[%dma_wait3A_202] : memref<512xf32, #tpu.memory_space<vmem>> -> memref<128xf32, #tpu.memory_space<vmem>>
    %dma_wait3A_204 = arith.constant 0 : i32
    %dma_wait3A_205 = tpu.memref_slice %arg11[%dma_wait3A_201, %dma_wait3A_204] : memref<4x128xi32, #tpu.memory_space<vmem>> -> memref<1x128xi32, #tpu.memory_space<vmem>>
    %dma_wait3A_206 = tpu.memref_squeeze %dma_wait3A_205 : memref<1x128xi32, #tpu.memory_space<vmem>> -> memref<128xi32, #tpu.memory_space<vmem>>
    %dma_wait3A_207 = arith.constant 0 : i32
    %dma_wait3A_208 = tpu.memref_slice %arg6[%dma_wait3A_207] : memref<1000000xf32, #tpu.memory_space<hbm>> -> memref<1000000xf32, #tpu.memory_space<hbm>>
    tpu.wait_indirect_dma semaphore(%arg18 : memref<!tpu.dma_semaphore, #tpu.memory_space<semaphore_mem>>) src(%dma_wait3A_208 : memref<1000000xf32, #tpu.memory_space<hbm>>) dst(%dma_wait3A_203 : memref<128xf32, #tpu.memory_space<vmem>>)
    %dma_wait3A_209 = arith.constant 2 : i32
    %dma_wait3A_210 = arith.constant 256 : i32
    %dma_wait3A_211 = tpu.memref_slice %arg15[%dma_wait3A_210] : memref<512xf32, #tpu.memory_space<vmem>> -> memref<128xf32, #tpu.memory_space<vmem>>
    %dma_wait3A_212 = arith.constant 0 : i32
    %dma_wait3A_213 = tpu.memref_slice %arg12[%dma_wait3A_209, %dma_wait3A_212] : memref<4x128xi32, #tpu.memory_space<vmem>> -> memref<1x128xi32, #tpu.memory_space<vmem>>
    %dma_wait3A_214 = tpu.memref_squeeze %dma_wait3A_213 : memref<1x128xi32, #tpu.memory_space<vmem>> -> memref<128xi32, #tpu.memory_space<vmem>>
    %dma_wait3A_215 = arith.constant 0 : i32
    %dma_wait3A_216 = tpu.memref_slice %arg7[%dma_wait3A_215] : memref<1000xf32, #tpu.memory_space<hbm>> -> memref<1000xf32, #tpu.memory_space<hbm>>
    tpu.wait_indirect_dma semaphore(%arg18 : memref<!tpu.dma_semaphore, #tpu.memory_space<semaphore_mem>>) src(%dma_wait3A_216 : memref<1000xf32, #tpu.memory_space<hbm>>) dst(%dma_wait3A_211 : memref<128xf32, #tpu.memory_space<vmem>>)
    %dma_wait3A_217 = arith.constant 3 : i32
    %dma_wait3A_218 = arith.constant 384 : i32
    %dma_wait3A_219 = tpu.memref_slice %arg13[%dma_wait3A_218] : memref<512xf32, #tpu.memory_space<vmem>> -> memref<128xf32, #tpu.memory_space<vmem>>
    %dma_wait3A_220 = arith.constant 0 : i32
    %dma_wait3A_221 = tpu.memref_slice %arg10[%dma_wait3A_217, %dma_wait3A_220] : memref<4x128xi32, #tpu.memory_space<vmem>> -> memref<1x128xi32, #tpu.memory_space<vmem>>
    %dma_wait3A_222 = tpu.memref_squeeze %dma_wait3A_221 : memref<1x128xi32, #tpu.memory_space<vmem>> -> memref<128xi32, #tpu.memory_space<vmem>>
    %dma_wait3A_223 = arith.constant 0 : i32
    %dma_wait3A_224 = tpu.memref_slice %arg5[%dma_wait3A_223] : memref<1000000xf32, #tpu.memory_space<hbm>> -> memref<1000000xf32, #tpu.memory_space<hbm>>
    tpu.wait_indirect_dma semaphore(%arg18 : memref<!tpu.dma_semaphore, #tpu.memory_space<semaphore_mem>>) src(%dma_wait3A_224 : memref<1000000xf32, #tpu.memory_space<hbm>>) dst(%dma_wait3A_219 : memref<128xf32, #tpu.memory_space<vmem>>)
    %dma_wait3A_225 = arith.constant 3 : i32
    %dma_wait3A_226 = arith.constant 384 : i32
    %dma_wait3A_227 = tpu.memref_slice %arg14[%dma_wait3A_226] : memref<512xf32, #tpu.memory_space<vmem>> -> memref<128xf32, #tpu.memory_space<vmem>>
    %dma_wait3A_228 = arith.constant 0 : i32
    %dma_wait3A_229 = tpu.memref_slice %arg11[%dma_wait3A_225, %dma_wait3A_228] : memref<4x128xi32, #tpu.memory_space<vmem>> -> memref<1x128xi32, #tpu.memory_space<vmem>>
    %dma_wait3A_230 = tpu.memref_squeeze %dma_wait3A_229 : memref<1x128xi32, #tpu.memory_space<vmem>> -> memref<128xi32, #tpu.memory_space<vmem>>
    %dma_wait3A_231 = arith.constant 0 : i32
    %dma_wait3A_232 = tpu.memref_slice %arg6[%dma_wait3A_231] : memref<1000000xf32, #tpu.memory_space<hbm>> -> memref<1000000xf32, #tpu.memory_space<hbm>>
    tpu.wait_indirect_dma semaphore(%arg18 : memref<!tpu.dma_semaphore, #tpu.memory_space<semaphore_mem>>) src(%dma_wait3A_232 : memref<1000000xf32, #tpu.memory_space<hbm>>) dst(%dma_wait3A_227 : memref<128xf32, #tpu.memory_space<vmem>>)
    %dma_wait3A_233 = arith.constant 3 : i32
    %dma_wait3A_234 = arith.constant 384 : i32
    %dma_wait3A_235 = tpu.memref_slice %arg15[%dma_wait3A_234] : memref<512xf32, #tpu.memory_space<vmem>> -> memref<128xf32, #tpu.memory_space<vmem>>
    %dma_wait3A_236 = arith.constant 0 : i32
    %dma_wait3A_237 = tpu.memref_slice %arg12[%dma_wait3A_233, %dma_wait3A_236] : memref<4x128xi32, #tpu.memory_space<vmem>> -> memref<1x128xi32, #tpu.memory_space<vmem>>
    %dma_wait3A_238 = tpu.memref_squeeze %dma_wait3A_237 : memref<1x128xi32, #tpu.memory_space<vmem>> -> memref<128xi32, #tpu.memory_space<vmem>>
    %dma_wait3A_239 = arith.constant 0 : i32
    %dma_wait3A_240 = tpu.memref_slice %arg7[%dma_wait3A_239] : memref<1000xf32, #tpu.memory_space<hbm>> -> memref<1000xf32, #tpu.memory_space<hbm>>
    tpu.wait_indirect_dma semaphore(%arg18 : memref<!tpu.dma_semaphore, #tpu.memory_space<semaphore_mem>>) src(%dma_wait3A_240 : memref<1000xf32, #tpu.memory_space<hbm>>) dst(%dma_wait3A_235 : memref<128xf32, #tpu.memory_space<vmem>>)
    %get3A = arith.constant 0 : index
    %get3A_241 = tpu.vector_load %arg16[%get3A] {strides = array<i32>} : memref<16xf32, #tpu.memory_space<vmem>>, vector<16xf32>,
    %scan3A = arith.constant 0 : i32
    %scan3A_242 = arith.constant 0 : i32
    %scan3A_243 = arith.constant 32 : i32
    %scan3A_244 = arith.addi %scan3A_242, %scan3A_243 : i32
    %scan3A_245 = arith.constant 1 : i32
    scf.for %scan3A_247 = %scan3A_242 to %scan3A_244 step %scan3A_245  : i32 {
      %mul3A_248 = arith.constant 16 : i32
      %mul3A_249 = arith.muli %scan3A_247, %mul3A_248 : i32
      %multiple_of3A = tpu.assume_multiple %mul3A_249, 16 : i32
      %get3A_250 = arith.index_cast %multiple_of3A : i32 to index
      %get3A_251 = tpu.vector_load %arg13[%get3A_250] {strides = array<i32>} : memref<512xf32, #tpu.memory_space<vmem>>, vector<16xf32>,
      %get3A_252 = arith.index_cast %multiple_of3A : i32 to index
      %get3A_253 = tpu.vector_load %arg14[%get3A_252] {strides = array<i32>} : memref<512xf32, #tpu.memory_space<vmem>>, vector<16xf32>,
      %add3A_254 = arith.addf %get3A_251, %get3A_253 : vector<16xf32>
      %get3A_255 = arith.index_cast %multiple_of3A : i32 to index
      %get3A_256 = tpu.vector_load %arg15[%get3A_255] {strides = array<i32>} : memref<512xf32, #tpu.memory_space<vmem>>, vector<16xf32>,
      %add3A_257 = arith.addf %add3A_254, %get3A_256 : vector<16xf32>
      %add3A_258 = arith.addf %add3A_257, %get3A_241 : vector<16xf32>
      %neg3A = arith.constant 0.000000e+00 : f32
      %neg3A_259 = vector.broadcast %neg3A : f32 to vector<16xf32>
      %neg3A_260 = arith.subf %neg3A_259, %add3A_258 : vector<16xf32>
      %exp3A = math.exp %neg3A_260 : vector<16xf32>
      %add3A_261 = arith.constant 1.000000e+00 : f32
      %add3A_262 = vector.broadcast %add3A_261 : f32 to vector<16xf32>
      %add3A_263 = arith.addf %add3A_262, %exp3A : vector<16xf32>
      %div3A = arith.constant 1.000000e+00 : f32
      %div3A_264 = vector.broadcast %div3A : f32 to vector<16xf32>
      %div3A_265 = arith.divf %div3A_264, %add3A_263 : vector<16xf32>
      %swap3A = arith.index_cast %multiple_of3A : i32 to index
      %swap3A_266 = tpu.vector_load %arg17[%swap3A] {strides = array<i32>} : memref<512xf32, #tpu.memory_space<vmem>>, vector<16xf32>,
      tpu.vector_store %arg17[%swap3A], %div3A_265 {strides = array<i32>} : memref<512xf32, #tpu.memory_space<vmem>>, vector<16xf32>,
    }
    %scan3A_246 = arith.constant 32 : i32
    "tpu.region"() ({
      %run_scoped3A = tpu.sem_alloc : memref<!tpu.dma_semaphore, #tpu.memory_space<semaphore_mem>>
      %dma_start3A_247 = tpu.memref_slice %arg9[%mul3A_2] : memref<16384xf32, #tpu.memory_space<hbm>> -> memref<512xf32, #tpu.memory_space<hbm>>
      %dma_start3A_248 = tpu.memref_slice %arg9[%mul3A_2] : memref<16384xf32, #tpu.memory_space<hbm>> -> memref<512xf32, #tpu.memory_space<hbm>>
      tpu.enqueue_dma source(%arg17 : memref<512xf32, #tpu.memory_space<vmem>>) target(%dma_start3A_248 : memref<512xf32, #tpu.memory_space<hbm>>) target_semaphore(%run_scoped3A : memref<!tpu.dma_semaphore, #tpu.memory_space<semaphore_mem>>)
      %dma_wait3A_249 = tpu.memref_slice %arg9[%mul3A_2] : memref<16384xf32, #tpu.memory_space<hbm>> -> memref<512xf32, #tpu.memory_space<hbm>>
      %dma_wait3A_250 = tpu.memref_slice %arg9[%mul3A_2] : memref<16384xf32, #tpu.memory_space<hbm>> -> memref<512xf32, #tpu.memory_space<hbm>>
      tpu.wait_dma2 semaphore(%run_scoped3A : memref<!tpu.dma_semaphore, #tpu.memory_space<semaphore_mem>>) src(%arg17 : memref<512xf32, #tpu.memory_space<vmem>>) dst(%dma_wait3A_250 : memref<512xf32, #tpu.memory_space<hbm>>)
      tpu.yield
    }) : () -> ()
    return
  }
}

module attributes {stable_mosaic.version = 14 : i64} {
  func.func @_matvec_body(%arg0: i32, %arg1: memref<1x64xf32, #tpu.memory_space<vmem>>, %arg2: memref<64x1000xf32, #tpu.memory_space<vmem>>, %arg3: memref<1000xf32, #tpu.memory_space<vmem>>) attributes {dimension_semantics = [#tpu.dimension_semantics<arbitrary>], iteration_bounds = array<i64: 1>, scalar_prefetch = 0 : i64, scratch_operands = 0 : i64, tpu.core_type = #tpu.core_type<tc>, window_params = [{pipeline_mode = #tpu.pipeline_mode<synchronous>, transform_indices = @transform_0, window_bounds = array<i64: 1, 64>}, {transform_indices = @transform_1, window_bounds = array<i64: 64, 1000>}, {transform_indices = @transform_2, window_bounds = array<i64: 1000>}]} {
    %get3A = arith.constant 0 : index
    %get3A_0 = arith.constant 0 : index
    %get3A_1 = vector.load %arg1[%get3A, %get3A_0] : memref<1x64xf32, #tpu.memory_space<vmem>>, vector<1x64xf32>
    %get3A_2 = arith.constant 0 : index
    %get3A_3 = arith.constant 0 : index
    %get3A_4 = vector.load %arg2[%get3A_2, %get3A_3] : memref<64x1000xf32, #tpu.memory_space<vmem>>, vector<64x1000xf32>
    %dot_general3A = arith.constant dense<0.000000e+00> : vector<1x1000xf32>
    %dot_general3A_5 = tpu.matmul %get3A_1, %get3A_4, %dot_general3A {dimension_numbers = #tpu.dot_dimension_numbers<[1], [0], [0], [1], [0, 0, 1, 1], [], []>, transpose_lhs_hint = false} : vector<1x64xf32>, vector<64x1000xf32>, vector<1x1000xf32> -> vector<1x1000xf32>
    %reshape3A = vector.shape_cast %dot_general3A_5 : vector<1x1000xf32> to vector<1000xf32>
    %swap3A = arith.constant 0 : index
    %swap3A_6 = vector.load %arg3[%swap3A] : memref<1000xf32, #tpu.memory_space<vmem>>, vector<1000xf32>
    tpu.vector_store %arg3[%swap3A], %reshape3A {strides = array<i32>} : memref<1000xf32, #tpu.memory_space<vmem>>, vector<1000xf32>,
    return
  }
  func.func @transform_0(%arg0: i32) -> (i32, i32) {
    %c0_i32 = arith.constant 0 : i32
    %c0_i32_0 = arith.constant 0 : i32
    %c0_i32_1 = arith.constant 0 : i32
    return %c0_i32, %c0_i32_0 : i32, i32
  }
  func.func @transform_1(%arg0: i32) -> (i32, i32) {
    %c0_i32 = arith.constant 0 : i32
    %c0_i32_0 = arith.constant 0 : i32
    return %c0_i32, %arg0 : i32, i32
  }
  func.func @transform_2(%arg0: i32) -> i32 {
    %c0_i32 = arith.constant 0 : i32
    return %arg0 : i32
  }
}

module attributes {stable_mosaic.version = 14 : i64} {
  func.func @_matvec2_body(%arg0: i32, %arg1: memref<2x64xf32, #tpu.memory_space<vmem>>, %arg2: memref<64x16384xf32, #tpu.memory_space<vmem>>, %arg3: memref<64x16384xf32, #tpu.memory_space<vmem>>, %arg4: memref<16384xf32, #tpu.memory_space<vmem>>, %arg5: memref<16384xf32, #tpu.memory_space<vmem>>) attributes {dimension_semantics = [#tpu.dimension_semantics<arbitrary>], iteration_bounds = array<i64: 62>, scalar_prefetch = 0 : i64, scratch_operands = 0 : i64, tpu.core_type = #tpu.core_type<tc>, window_params = [{pipeline_mode = #tpu.pipeline_mode<synchronous>, transform_indices = @transform_0, window_bounds = array<i64: 2, 64>}, {transform_indices = @transform_1, window_bounds = array<i64: 64, 16384>}, {transform_indices = @transform_2, window_bounds = array<i64: 64, 16384>}, {transform_indices = @transform_3, window_bounds = array<i64: 16384>}, {transform_indices = @transform_4, window_bounds = array<i64: 16384>}]} {
    %get3A = arith.constant 0 : index
    %get3A_0 = arith.constant 0 : index
    %get3A_1 = vector.load %arg1[%get3A, %get3A_0] : memref<2x64xf32, #tpu.memory_space<vmem>>, vector<1x64xf32>
    %get3A_2 = arith.constant 0 : index
    %get3A_3 = arith.constant 0 : index
    %get3A_4 = vector.load %arg2[%get3A_2, %get3A_3] : memref<64x16384xf32, #tpu.memory_space<vmem>>, vector<64x16384xf32>
    %dot_general3A = arith.constant dense<0.000000e+00> : vector<1x16384xf32>
    %dot_general3A_5 = tpu.matmul %get3A_1, %get3A_4, %dot_general3A {dimension_numbers = #tpu.dot_dimension_numbers<[1], [0], [0], [1], [0, 0, 1, 1], [], []>, transpose_lhs_hint = false} : vector<1x64xf32>, vector<64x16384xf32>, vector<1x16384xf32> -> vector<1x16384xf32>
    %reshape3A = vector.shape_cast %dot_general3A_5 : vector<1x16384xf32> to vector<16384xf32>
    %swap3A = arith.constant 0 : index
    %swap3A_6 = vector.load %arg4[%swap3A] : memref<16384xf32, #tpu.memory_space<vmem>>, vector<16384xf32>
    tpu.vector_store %arg4[%swap3A], %reshape3A {strides = array<i32>} : memref<16384xf32, #tpu.memory_space<vmem>>, vector<16384xf32>,
    %get3A_7 = arith.constant 1 : index
    %get3A_8 = arith.constant 0 : index
    %get3A_9 = vector.load %arg1[%get3A_7, %get3A_8] : memref<2x64xf32, #tpu.memory_space<vmem>>, vector<1x64xf32>
    %get3A_10 = arith.constant 0 : index
    %get3A_11 = arith.constant 0 : index
    %get3A_12 = vector.load %arg3[%get3A_10, %get3A_11] : memref<64x16384xf32, #tpu.memory_space<vmem>>, vector<64x16384xf32>
    %dot_general3A_13 = arith.constant dense<0.000000e+00> : vector<1x16384xf32>
    %dot_general3A_14 = tpu.matmul %get3A_9, %get3A_12, %dot_general3A_13 {dimension_numbers = #tpu.dot_dimension_numbers<[1], [0], [0], [1], [0, 0, 1, 1], [], []>, transpose_lhs_hint = false} : vector<1x64xf32>, vector<64x16384xf32>, vector<1x16384xf32> -> vector<1x16384xf32>
    %reshape3A_15 = vector.shape_cast %dot_general3A_14 : vector<1x16384xf32> to vector<16384xf32>
    %swap3A_16 = arith.constant 0 : index
    %swap3A_17 = vector.load %arg5[%swap3A_16] : memref<16384xf32, #tpu.memory_space<vmem>>, vector<16384xf32>
    tpu.vector_store %arg5[%swap3A_16], %reshape3A_15 {strides = array<i32>} : memref<16384xf32, #tpu.memory_space<vmem>>, vector<16384xf32>,
    return
  }
  func.func @transform_0(%arg0: i32) -> (i32, i32) {
    %c0_i32 = arith.constant 0 : i32
    %c0_i32_0 = arith.constant 0 : i32
    %c0_i32_1 = arith.constant 0 : i32
    return %c0_i32, %c0_i32_0 : i32, i32
  }
  func.func @transform_1(%arg0: i32) -> (i32, i32) {
    %c0_i32 = arith.constant 0 : i32
    %c0_i32_0 = arith.constant 0 : i32
    return %c0_i32, %arg0 : i32, i32
  }
  func.func @transform_2(%arg0: i32) -> (i32, i32) {
    %c0_i32 = arith.constant 0 : i32
    %c0_i32_0 = arith.constant 0 : i32
    return %c0_i32, %arg0 : i32, i32
  }
  func.func @transform_3(%arg0: i32) -> i32 {
    %c0_i32 = arith.constant 0 : i32
    return %arg0 : i32
  }
  func.func @transform_4(%arg0: i32) -> i32 {
    %c0_i32 = arith.constant 0 : i32
    return %arg0 : i32
  }
}

</mosaic_0001>

<sc_bundles>
// kernel: kernel.5.cloned.1.call-start
scs
__scs_entry_jumppad:
0x0: {  	(pc) =	sbr.rel $0x88, $3  }
0x1: {  	(tag) =	ssettag $0x0;
	lr =	simm.s32 $0x1  }
0x2: {  	[smem:$0x3F99] =	sst lr;
	_ =	strace $0xD0000000  }
0x3: {  	_ = 	snop  }
0x4: {  	_ = 	snop  }
0x5: {  	_ = 	snop  }
0x6: {  	_ = 	snop  }
0x7: {  	_ = 	snop  }
__scs_overlays_trampoline_lowered:
0x8: {  	[smem:$0x3FA8] =	sst s0  }
0x9: {  	[smem:$0x3FA9] =	sst s1  }
0xa: {  	[smem:$0x3FAA] =	sst s2  }
0xb: {  	[smem:$0x3FAB] =	sst s3  }
0xc: {  	[smem:$0x3FAC] =	sst s4  }
0xd: {  	[smem:$0x3FAD] =	sst s5  }
0xe: {  	[smem:$0x3FAE] =	sst s6  }
0xf: {  	[smem:$0x3FAF] =	sst s7  }
0x10: {  	[smem:$0x3FB0] =	sst s8  }
0x11: {  	[smem:$0x3FB1] =	sst s9;
	s0 =	simm.s32 @!p0 $0x0  }
0x12: {  	s1 =	sld [smem:$0x3F97];
	s0 =	simm.s32 @p0 $0x1  }
0x13: {  	[smem:$0x3FB2] =	sst s0;
	s0 =	simm.s32 @!p1 $0x0  }
0x14: {  	s2 =	sld [smem:$0x3F96];
	s0 =	simm.s32 @p1 $0x1  }
0x15: {  	[smem:$0x3FB3] =	sst s0;
	s0 =	simm.s32 @!p2 $0x0  }
0x16: {  	s3 =	sld [smem:$0x3FDB];
	s0 =	simm.s32 @p2 $0x1  }
0x17: {  	s4 =	simm.s32 $0x1BF5;
	[smem:$0x3FB5] =	sst s0  }
0x18: {  	s0 =	sld [smem:$0x3F98];
	_ =	swait.ge [sflag:s4], $0x0  }
0x19: {  	s7 =	sld [smem:$0x3F99]  }
0x1a: {  	s8 =	sadd.s32 $0xFFFFE003, lr  }
0x1b: {  	s9 =	sadd.s32 $0xFFFFFEF7, lr;
	s5 =	simm.s32 $0xFFFFFFFF;
	p2 =	slt.u32 s8, $0xFFFFF086  }
0x1c: {  	p1 =	slt.u32 s9, $0xF7A;
	s5 =	simm.s32 @!p2 $0x0  }
0x1d: {  	s5 =	simm.s32 @p1 $0x1;
	p0 =	seq.s32 s7, s2  }
0x1e: {  	s7 =	smul.u32 @!p0 $0xF7A, s2;
	p2 =	seq.s32 @!p0 s5, $0x0  }
0x1f: {  	s9 =	smul.u32 $0xF7A, s1;
	s8 =	simm.s32 @!p0 $0x1BF5;
	p2 =	por !p2, p0  }
0x20: {  	[sflag:s8] =	ssyncset.s32 @!p0 $0xFFFFF086;
	s6 =	sadd.s32 @!p0 s3, s7;
	s7 =	simm.s32 @!p0 $0x108  }
0x21: {  	s3 =	sadd.s32 s3, s9;
	s6 =	sadd.s32 @!p0 $0x88, s6;
	s7 =	simm.s32 @p2 $0x1082  }
0x22: {  	[simem:s7], [sflag:s8] =	dma.local @!p0 [hbm:s6], $0xF7A  }
0x23: {  	s9 =	sor.u32 $0xD0000000, s2;
	s6 =	simm.s32 $0x108;
	_ =	swait.ge @!p0 [sflag:s8], $0x0  }
0x24: {  	s3 =	sadd.s32 $0x88, s3;
	s6 =	simm.s32 @!p1 $0x1082;
	[sflag:s4] =	ssyncset.s32 $0xFFFFF086  }
0x25: {  	[simem:s6], [sflag:s4] =	dma.local [hbm:s3], $0xF7A  }
0x26: {  	[smem:$0x3F99] =	sst s1;
	(tag) =	ssettag s2;
	_ =	strace s9  }
0x27: {  	s1 =	sld [smem:$0x3FA9]  }
0x28: {  	s2 =	sld [smem:$0x3FAA]  }
0x29: {  	s4 =	sld [smem:$0x3FAC]  }
0x2a: {  	p0 =	seq.s32 s5, $0x0;
	s5 =	sld [smem:$0x3FAD]  }
0x2b: {  	s6 =	sld [smem:$0x3FAE]  }
0x2c: {  	s7 =	sld [smem:$0x3FAF]  }
0x2d: {  	s3 =	simm.s32 $0x108;
	s8 =	sld [smem:$0x3FB0]  }
0x2e: {  	s3 =	simm.s32 @!p0 $0x1082;
	s9 =	sld [smem:$0x3FB1]  }
0x2f: {  	lr =	sadd.s32 s0, s3;
	s0 =	sld [smem:$0x3FA8]  }
0x30: {  	s3 =	sld [smem:$0x3FAB]  }
0x31: {  	[smem:$0x3FB4] =	sst s10  }
0x32: {  	s10 =	sld [smem:$0x3FB2];
	_ =	sdelay $0x3  }
0x33: {  	p0 =	seq.s32 s10, $0x1;
	s10 =	sld [smem:$0x3FB4];
	_ =	sdelay $0x3  }
0x34: {  	[smem:$0x3FB4] =	sst s10  }
0x35: {  	s10 =	sld [smem:$0x3FB3];
	_ =	sdelay $0x3  }
0x36: {  	p1 =	seq.s32 s10, $0x1;
	s10 =	sld [smem:$0x3FB4];
	_ =	sdelay $0x3  }
0x37: {  	[smem:$0x3FB4] =	sst s10  }
0x38: {  	s10 =	sld [smem:$0x3FB5]  }
0x39: {  	_ = 	snop;
	(pc) =	sbr.ind lr, $3  }
0x3a: {  	_ = 	snop  }
0x3b: {  	_ = 	snop  }
0x3c: {  	p2 =	seq.s32 s10, $0x1;
	s10 =	sld [smem:$0x3FB4]  }
0x3d: {  	_ =	shalt  }
0x3e: {  	_ =	shalt  }
0x3f: {  	_ =	shalt  }
0x40: {  	_ =	shalt  }
0x41: {  	_ =	shalt  }
0x42: {  	_ =	shalt  }
0x43: {  	_ =	shalt  }
0x44: {  	_ =	shalt  }
0x45: {  	_ =	shalt  }
0x46: {  	_ =	shalt  }
0x47: {  	_ =	shalt  }
0x48: {  	_ =	shalt  }
0x49: {  	_ =	shalt  }
0x4a: {  	_ =	shalt  }
0x4b: {  	_ =	shalt  }
0x4c: {  	_ =	shalt  }
0x4d: {  	_ =	shalt  }
0x4e: {  	_ =	shalt  }
0x4f: {  	_ =	shalt  }
0x50: {  	_ =	shalt  }
0x51: {  	_ =	shalt  }
0x52: {  	_ =	shalt  }
0x53: {  	_ =	shalt  }
0x54: {  	_ =	shalt  }
0x55: {  	_ =	shalt  }
0x56: {  	_ =	shalt  }
0x57: {  	_ =	shalt  }
0x58: {  	_ =	shalt  }
0x59: {  	_ =	shalt  }
0x5a: {  	_ =	shalt  }
0x5b: {  	_ =	shalt  }
0x5c: {  	_ =	shalt  }
0x5d: {  	_ =	shalt  }
0x5e: {  	_ =	shalt  }
0x5f: {  	_ =	shalt  }
0x60: {  	_ =	shalt  }
0x61: {  	_ =	shalt  }
0x62: {  	_ =	shalt  }
0x63: {  	_ =	shalt  }
0x64: {  	_ =	shalt  }
0x65: {  	_ =	shalt  }
0x66: {  	_ =	shalt  }
0x67: {  	_ =	shalt  }
0x68: {  	_ =	shalt  }
0x69: {  	_ =	shalt  }
0x6a: {  	_ =	shalt  }
0x6b: {  	_ =	shalt  }
0x6c: {  	_ =	shalt  }
0x6d: {  	_ =	shalt  }
0x6e: {  	_ =	shalt  }
0x6f: {  	_ =	shalt  }
0x70: {  	_ =	shalt  }
0x71: {  	_ =	shalt  }
0x72: {  	_ =	shalt  }
0x73: {  	_ =	shalt  }
0x74: {  	_ =	shalt  }
0x75: {  	_ =	shalt  }
0x76: {  	_ =	shalt  }
0x77: {  	_ =	shalt  }
0x78: {  	_ =	shalt  }
0x79: {  	_ =	shalt  }
0x7a: {  	_ =	shalt  }
0x7b: {  	_ =	shalt  }
0x7c: {  	_ =	shalt  }
0x7d: {  	_ =	shalt  }
0x7e: {  	_ =	shalt  }
0x7f: {  	_ =	shalt  }
0x80: {  	_ =	shalt  }
0x81: {  	_ =	shalt  }
0x82: {  	_ =	shalt  }
0x83: {  	_ =	shalt  }
0x84: {  	_ =	shalt  }
0x85: {  	_ =	shalt  }
0x86: {  	_ =	shalt  }
0x87: {  	_ =	shalt  }
.Lfunc_end0:
.L_simem_size_0:
called_computation_lowered:
.L_overlay_start_0:
0x88: {  	s2 =	sld [smem:$0x3FD9]  }
0x89: {  	s3 =	sld [smem:$0x3FFE];
	_ =	sdelay $0x1  }
0x8a: {  	s1 =	srdreg.scid  }
0x8b: {  	s0 =	sand.u32 $0x1, s1  }
0x8c: {  	s17 =	sshll.u32 s0, $0xA;
	s2 =	sadd.s32 s3, s2  }
0x8d: {  	s2 =	sadd.s32 s2, s17  }
0x8e: {  	[smem:$0x3FC0] =	sst s2  }
0x8f: {  	_ = 	snop  }
0x90: {  	s2 =	sld [smem:$0x3FC9]  }
0x91: {  	s18 =	sld [smem:$0x3FC8]  }
0x92: {  	s4 =	sld [smem:$0x3FC7]  }
0x93: {  	s5 =	sld [smem:$0x3FD0];
	(tm) =	ssettm $0x1  }
0x94: {  	s6 =	sld [smem:$0x3FFB];
	_ =	sdelay $0x3  }
0x95: {  	_ =	strace s6  }
0x96: {  	s6 =	sld [smem:$0x3FFC];
	_ =	sdelay $0x3  }
0x97: {  	_ =	strace s6  }
0x98: {  	s6 =	sld [smem:$0x3FFD];
	_ =	sdelay $0x3  }
0x99: {  	_ =	strace s6  }
0x9a: {  	_ =	strace $0x8FFFFFFF  }
0x9b: {  	s19 =	sld [smem:$0x3FDB];
	_ =	sdelay $0x1  }
0x9c: {  	s7 =	simm.s32 $_scs_section_size  }
0x9d: {  	s8 =	simm.s32 $_size__tile_overlayer_lowered;
	s9 =	simm.s32 $_tile_overlayer_lowered  }
0x9e: {  	s22 =	simm.s32 $0x1BFF;
	s21 =	sshll.u32 s9, $0x1;
	s6 =	sadd.s32 s7, s19  }
0x9f: {  	s10 =	simm.s32 $0x0;
	s20 =	sshll.u32 s8, $0x1;
	s8 =	sadd.s32 s21, s6  }
0xa0: {  	[timem:s10], [sflag:s22] =	dma.local [hbm:s8], s20  }
0xa1: {  	_ =	swait.ge [sflag:s22], s20  }
0xa2: {  	s7 =	ssub.s32 $0x0, s20;
	[sflag:s22] =	ssyncset.done $0x0  }
0xa3: {  	[sflag:s22] =	ssyncadd.s32 s7;
	_ =	sdelay $0x1  }
0xa4: {  	s23 =	simm.s32 $0x1B8B  }
0xa5: {  	_ =	swait.ge [sflag:s23], $0x1  }
0xa6: {  	[sflag:s23] =	ssyncset.done $0x0  }
0xa7: {  	s25 =	simm.s32 $0x1B8E;
	s24 =	sld [smem:$0x3FFE];
	[sflag:s23] =	ssyncadd.s32 $0xFFFFFFFF  }
0xa8: {  	s26 =	simm.s32 $execute0_lowered;
	[smem:$0x3FD2] =	sst s25  }
0xa9: {  	s8 =	sshll.u32 s26, $0x1;
	_ =	strace $0x80000046;
	[dreg:$0x1] =	wrdreg $0xFFFFFFFF  }
0xaa: {  	s28 =	simm.s32 $_size_execute0_lowered;
	s6 =	sadd.s32 s6, s8;
	[dreg:$0x0] =	wrdreg $0x0  }
0xab: {  	s8 =	sshll.u32 s28, $0x1;
	[dreg:$0x2] =	wrdreg s6  }
0xac: {  	[dreg:$0x3] =	wrdreg s8  }
0xad: {  	[dreg:$0x4] =	wrdreg $0xC0  }
0xae: {  	_ =	task [dreg:s10], $0x5FFFF  }
0xaf: {  	[dreg:$0x1] =	wrdreg $0xFFFFFFFF  }
0xb0: {  	[dreg:$0x0] =	wrdreg $0x60  }
0xb1: {  	[dreg:$0x2] =	wrdreg s2  }
0xb2: {  	[dreg:$0x3] =	wrdreg s18  }
0xb3: {  	[dreg:$0x4] =	wrdreg s4  }
0xb4: {  	[dreg:$0x5] =	wrdreg s24  }
0xb5: {  	[dreg:$0x6] =	wrdreg s5  }
0xb6: {  	[dreg:$0x7] =	wrdreg $0x9  }
0xb7: {  	_ =	task.clear_ibuf [dreg:s10], $0x8FFFF;
	_ =	strace $0x90000046  }
0xb8: {  	s29 =	simm.s32 $0x9;
	_ =	strace $0x80000048  }
0xb9: {  	_ =	swait.ge [sflag:s29], $0x1  }
0xba: {  	[sflag:s29] =	ssyncadd.s32 $0xFFFFFFFF  }
0xbb: {  	_ =	strace $0x90000048  }
0xbc: {  	_ =	sfence  }
0xbd: {  	s30 =	sld [smem:$0x0];
	_ =	sdelay $0x2  }
0xbe: {  	s31 =	sshll.u32 s1, $0xD;
	s1 =	sshrl.u32 s1, $0x2  }
0xbf: {  	s3 =	sand.u32 $0x4000, s31;
	s1 =	sadd.s32 s1, s30  }
0xc0: {  	s0 =	sor.u32 s3, s0;
	s1 =	sshll.u32 s1, $0x11  }
0xc1: {  	s0 =	sor.u32 s1, s0  }
0xc2: {  	s0 =	sadd.s32 $0x8F2B, s0  }
0xc3: {  	[sflag:s0] =	ssyncadd.remote.s32 $0x1  }
0xc4: {  	_ =	sfence.sel $0xFFFF  }
0xc5: {  	[dreg:$0x0] =	wrdreg $0xFFFFFFFF;
	(pc) =	sbr.abs _section_cstart, $3  }
0xc6: {  	[dreg:$0x1] =	wrdreg $0xFFFFFFFF  }
0xc7: {  	_ =	task.clear_ibuf [dreg:s10], $0x2FFFF;
	_ =	strace $0x9FFFFFFF  }
0xc8: {  	(tm) =	ssettm $0x7FFFFFFF  }
0xc9: {  	_ =	shalt  }
tec
execute0_lowered:
.L_overlay_start_1:
0x0: {  	(tag) =	ssettag $0x1  }
0x1: {  	s0 =	rddreg [dreg:$0x0]  }
0x2: {  	s2 =	rddreg [dreg:$0x1]  }
0x3: {  	s9 =	rddreg [dreg:$0x2]  }
0x4: {  	s6 =	rddreg [dreg:$0x3]  }
0x5: {  	s10 =	rddreg [dreg:$0x4];
	s1 =	simm.s32 $0x0  }
0x6: {  	s5 =	srdreg.scid;
	s12 =	stileid.u32;
	s13 =	simm.s32 $0x400  }
0x7: {  	s15 =	simm.s32 $0x1;
	s16 =	simm.s32 $0x80;
	s14 =	simm.s32 $0x380  }
0x8: {  	s17 =	simm.s32 $0x980;
	s18 =	simm.s32 $0x580;
	s19 =	simm.s32 $0xB80  }
0x9: {  	s20 =	simm.s32 $0xC10;
	s21 =	simm.s32 $0x2;
	s22 =	simm.s32 $0x0  }
0xa: {  	[smem:$0x7FF] =	sst s1;
	s3 =	sadd.s32 $0xC00, s6;
	s4 =	sadd.s32 $0x1F600, s6  }
0xb: {  	s7 =	sand.u32 $0x1, s5;
	s5 =	sadd.s32 $0xA00, s6;
	s12 =	sshll.u32 s12, $0x7  }
0xc: {  	s6 =	sadd.s32 $0x3E000, s6;
	s8 =	ssub.s32 $0x2, s7;
	s7 =	sshll.u32 s7, $0x6  }
0xd: {  	_ =	strace $0x80000047;
	s11 =	sshrl.u32 s8, $0x1;
	s12 =	sor.u32 s7, s12  }
0xe: {  	s11 =	ssub.s32 s8, s11;
	s7 =	sadd.s32 s0, s12;
	s8 =	sadd.s32 s2, s12  }
0xf: {  	s9 =	sadd.s32 s9, s12;
	s10 =	sadd.s32 s10, s12;
	s12 =	simm.s32 $0x200  }
0x10: {  	s0 =	simm.s32 $0x180;
	s2 =	simm.s32 $0x780;
	s11 =	smax.u32 s11, $0x1  }
.LBB2_1:
0x11: {  	[tilespmem:s1], [sflag:$0x1] =	stream.linear.gather [hbm4b:s7+s1], $0x200, $0x38;
	[tilespmem:$0xE10] =	vst v63  }
0x12: {  	_ = 	snop  }
0x13: {  	[tilespmem:s12], [sflag:$0x1] =	stream.linear.gather [hbm4b:s8+s1], $0x200, $0x38;
	[tilespmem:$0xE10] =	vst v63  }
0x14: {  	_ = 	snop  }
0x15: {  	[tilespmem:s13], [sflag:$0x1] =	stream.linear.gather [hbm4b:s9+s1], $0x200, $0x38;
	[tilespmem:$0xE10] =	vst v63  }
0x16: {  	s23 =	simm.s32 $0xC00  }
0x17: {  	[tilespmem:s23], [sflag:$0x1] =	stream.linear.gather [hbm4b:s6+s1], $0x10, $0x38;
	[tilespmem:$0xE10] =	vst v63  }
0x18: {  	_ =	swait.ge [sflag:s15], $0x200  }
0x19: {  	[sflag:s15] =	ssyncset.done $0x0  }
0x1a: {  	[sflag:s15] =	ssyncadd.s32 $0xFFFFFE00  }
0x1b: {  	_ =	swait.ge [sflag:s15], $0x200  }
0x1c: {  	[sflag:s15] =	ssyncset.done $0x0  }
0x1d: {  	[sflag:s15] =	ssyncadd.s32 $0xFFFFFE00  }
0x1e: {  	_ =	swait.ge [sflag:s15], $0x200  }
0x1f: {  	[sflag:s15] =	ssyncset.done $0x0  }
0x20: {  	[sflag:s15] =	ssyncadd.s32 $0xFFFFFE00  }
0x21: {  	_ =	swait.ge [sflag:s15], $0x10  }
0x22: {  	[sflag:s15] =	ssyncset.done $0x0  }
0x23: {  	s31 =	simm.s32 $0x600;
	[sflag:s15] =	ssyncadd.s32 $0xFFFFFFF0  }
0x24: {  	[tilespmem:s31], [sflag:$0x1] =	stream.indirect.gather [hbm4b:s3+s16], $0x1, s1, s16, $0xb8;
	[tilespmem:$0xE10] =	vst v63  }
0x25: {  	s24 =	simm.s32 $0x800  }
0x26: {  	[tilespmem:s24], [sflag:$0x1] =	stream.indirect.gather [hbm4b:s4+s16], $0x1, s12, s16, $0xb8;
	[tilespmem:$0xE10] =	vst v63  }
0x27: {  	s25 =	simm.s32 $0xA00  }
0x28: {  	[tilespmem:s25], [sflag:$0x1] =	stream.indirect.gather [hbm4b:s5+s16], $0x1, s13, s16, $0xb8;
	[tilespmem:$0xE10] =	vst v63  }
0x29: {  	s26 =	simm.s32 $0x680  }
0x2a: {  	[tilespmem:s26], [sflag:$0x1] =	stream.indirect.gather [hbm4b:s3+s16], $0x1, s16, s16, $0xb8;
	[tilespmem:$0xE10] =	vst v63  }
0x2b: {  	s31 =	simm.s32 $0x280;
	s24 =	simm.s32 $0x880  }
0x2c: {  	[tilespmem:s24], [sflag:$0x1] =	stream.indirect.gather [hbm4b:s4+s16], $0x1, s31, s16, $0xb8;
	[tilespmem:$0xE10] =	vst v63  }
0x2d: {  	s25 =	simm.s32 $0xA80;
	s24 =	simm.s32 $0x480  }
0x2e: {  	[tilespmem:s25], [sflag:$0x1] =	stream.indirect.gather [hbm4b:s5+s16], $0x1, s24, s16, $0xb8;
	[tilespmem:$0xE10] =	vst v63  }
0x2f: {  	s26 =	simm.s32 $0x100;
	s31 =	simm.s32 $0x700  }
0x30: {  	[tilespmem:s31], [sflag:$0x1] =	stream.indirect.gather [hbm4b:s3+s16], $0x1, s26, s16, $0xb8;
	[tilespmem:$0xE10] =	vst v63  }
0x31: {  	s24 =	simm.s32 $0x300;
	s25 =	simm.s32 $0x900  }
0x32: {  	[tilespmem:s25], [sflag:$0x1] =	stream.indirect.gather [hbm4b:s4+s16], $0x1, s24, s16, $0xb8;
	[tilespmem:$0xE10] =	vst v63  }
0x33: {  	s26 =	simm.s32 $0x500;
	s31 =	simm.s32 $0xB00  }
0x34: {  	[tilespmem:s31], [sflag:$0x1] =	stream.indirect.gather [hbm4b:s5+s16], $0x1, s26, s16, $0xb8;
	[tilespmem:$0xE10] =	vst v63  }
0x35: {  	_ = 	snop  }
0x36: {  	[tilespmem:s2], [sflag:$0x1] =	stream.indirect.gather [hbm4b:s3+s16], $0x1, s0, s16, $0xb8;
	[tilespmem:$0xE10] =	vst v63  }
0x37: {  	_ = 	snop  }
0x38: {  	[tilespmem:s17], [sflag:$0x1] =	stream.indirect.gather [hbm4b:s4+s16], $0x1, s14, s16, $0xb8;
	[tilespmem:$0xE10] =	vst v63  }
0x39: {  	_ = 	snop  }
0x3a: {  	[tilespmem:s19], [sflag:$0x1] =	stream.indirect.gather [hbm4b:s5+s16], $0x1, s18, s16, $0xb8;
	[tilespmem:$0xE10] =	vst v63  }
0x3b: {  	_ =	swait.ge [sflag:s15], $0x80  }
0x3c: {  	[sflag:s15] =	ssyncset.done $0x0  }
0x3d: {  	[sflag:s15] =	ssyncadd.s32 $0xFFFFFF80  }
0x3e: {  	_ =	swait.ge [sflag:s15], $0x80  }
0x3f: {  	[sflag:s15] =	ssyncset.done $0x0  }
0x40: {  	[sflag:s15] =	ssyncadd.s32 $0xFFFFFF80  }
0x41: {  	_ =	swait.ge [sflag:s15], $0x80  }
0x42: {  	[sflag:s15] =	ssyncset.done $0x0  }
0x43: {  	[sflag:s15] =	ssyncadd.s32 $0xFFFFFF80  }
0x44: {  	_ =	swait.ge [sflag:s15], $0x80  }
0x45: {  	[sflag:s15] =	ssyncset.done $0x0  }
0x46: {  	[sflag:s15] =	ssyncadd.s32 $0xFFFFFF80  }
0x47: {  	_ =	swait.ge [sflag:s15], $0x80  }
0x48: {  	[sflag:s15] =	ssyncset.done $0x0  }
0x49: {  	[sflag:s15] =	ssyncadd.s32 $0xFFFFFF80  }
0x4a: {  	_ =	swait.ge [sflag:s15], $0x80  }
0x4b: {  	[sflag:s15] =	ssyncset.done $0x0  }
0x4c: {  	[sflag:s15] =	ssyncadd.s32 $0xFFFFFF80  }
0x4d: {  	_ =	swait.ge [sflag:s15], $0x80  }
0x4e: {  	[sflag:s15] =	ssyncset.done $0x0  }
0x4f: {  	[sflag:s15] =	ssyncadd.s32 $0xFFFFFF80  }
0x50: {  	_ =	swait.ge [sflag:s15], $0x80  }
0x51: {  	[sflag:s15] =	ssyncset.done $0x0  }
0x52: {  	[sflag:s15] =	ssyncadd.s32 $0xFFFFFF80  }
0x53: {  	_ =	swait.ge [sflag:s15], $0x80  }
0x54: {  	[sflag:s15] =	ssyncset.done $0x0  }
0x55: {  	[sflag:s15] =	ssyncadd.s32 $0xFFFFFF80  }
0x56: {  	_ =	swait.ge [sflag:s15], $0x80  }
0x57: {  	[sflag:s15] =	ssyncset.done $0x0  }
0x58: {  	[sflag:s15] =	ssyncadd.s32 $0xFFFFFF80  }
0x59: {  	_ =	swait.ge [sflag:s15], $0x80  }
0x5a: {  	[sflag:s15] =	ssyncset.done $0x0  }
0x5b: {  	[sflag:s15] =	ssyncadd.s32 $0xFFFFFF80  }
0x5c: {  	_ =	swait.ge [sflag:s15], $0x80  }
0x5d: {  	[sflag:s15] =	ssyncset.done $0x0  }
0x5e: {  	s23 =	simm.s32 $0x0;
	[sflag:s15] =	ssyncadd.s32 $0xFFFFFF80  }
0x5f: {  	v1 =	vld [tilespmem:s23+$0x600]  }
0x60: {  	v2 =	vld [tilespmem:s23+$0x800]  }
0x61: {  	s24 =	simm.s32 $0x10;
	v3 =	vld [tilespmem:s23+$0xA00]  }
0x62: {  	v4 =	vld [tilespmem:s24+$0x600]  }
0x63: {  	v5 =	vld [tilespmem:s24+$0x800]  }
0x64: {  	v0 =	vld [tilespmem:$0xC00]  }
0x65: {  	v1 =	vadd.f32 v2, v1  }
0x66: {  	v2 =	vld [tilespmem:s24+$0xA00]  }
0x67: {  	v1 =	vadd.f32 v3, v1;
	_ =	sdelay $0x1  }
0x68: {  	s25 =	simm.s32 $0x20;
	v3 =	vadd.f32 v5, v4;
	v1 =	vadd.f32 v1, v0  }
0x69: {  	v4 =	vld [tilespmem:s25+$0x600]  }
0x6a: {  	s26 =	simm.s32 $0x30;
	v5 =	vld [tilespmem:s25+$0x800];
	v2 =	vadd.f32 v2, v3;
	v1 =	vsub.f32 $0.0e+00, v1  }
0x6b: {  	v6 =	vld [tilespmem:s26+$0x600]  }
0x6c: {  	v3 =	vld [tilespmem:s25+$0xA00];
	v2 =	vadd.f32 v2, v0;
	v1 =	vmul.f32 $1.442695020e+00, v1  }
0x6d: {  	v7 =	vld [tilespmem:s26+$0x800]  }
0x6e: {  	v2 =	vsub.f32 $0.0e+00, v2;
	(erf) = vpow2.f32 v1  }
0x6f: {  	v4 =	vadd.f32 v5, v4;
	v1 =	vld [tilespmem:s26+$0xA00]  }
0x70: {  	s28 =	simm.s32 $0x40;
	v2 =	vmul.f32 $1.442695020e+00, v2  }
0x71: {  	v5 =	vld [tilespmem:s28+$0x800];
	v3 =	vadd.f32 v3, v4  }
0x72: {  	v4 =	vadd.f32 v7, v6;
	(erf) = vpow2.f32 v2;
	v2 =	vld [tilespmem:s28+$0x600]  }
0x73: {  	v3 =	vadd.f32 v3, v0  }
0x74: {  	v1 =	vadd.f32 v1, v4  }
0x75: {  	v3 =	vsub.f32 $0.0e+00, v3  }
0x76: {  	v1 =	vadd.f32 v1, v0  }
0x77: {  	v4 =	vld [tilespmem:s28+$0xA00];
	v3 =	vmul.f32 $1.442695020e+00, v3;
	v2 =	vadd.f32 v5, v2;
	v6 =	vpop (erf)  }
0x78: {  	v5 =	vsub.f32 $0.0e+00, v1;
	v6 =	vadd.f32 $1.000000000e+00, v6  }
0x79: {  	(erf) = vpow2.f32 v3  }
0x7a: {  	s29 =	simm.s32 $0x50;
	v8 =	vmul.f32 $1.442695020e+00, v5;
	(erf) = vrcp.f32 v6  }
0x7b: {  	v1 =	vld [tilespmem:s29+$0x600]  }
0x7c: {  	v7 =	vadd.f32 v4, v2;
	v2 =	vld [tilespmem:s29+$0x800];
	v4 =	vpop (erf);
	(erf) = vpow2.f32 v8;
	_ =	sdelay $0x1  }
0x7d: {  	v3 =	vld [tilespmem:s29+$0xA00];
	v4 =	vadd.f32 $1.000000000e+00, v4  }
0x7e: {  	s30 =	simm.s32 $0x180;
	v5 =	vadd.f32 v7, v0  }
.LBB2_2:
0x7f: {  	s31 =	sshra.s32 s30, $0x2;
	(erf) = vrcp.f32 v4;
	p0 =	sne.s32 s30, $0x7C0  }
.Ltmp0:
0x80: {  	v4 =	vadd.f32 v2, v1;
	v1 =	vld [tilespmem:s31+$0x600];
	v9 =	vsub.f32 $0.0e+00, v5;
	(pc) =	sbr.rel @p0 .LBB2_2-.Ltmp0, $4  }
0x81: {  	s30 =	sadd.s32 $0x40, s30;
	v2 =	vld [tilespmem:s31+$0x800];
	v6 =	vpop (erf)  }
0x82: {  	v7 =	vadd.f32 v3, v4;
	v8 =	vmul.f32 $1.442695020e+00, v9;
	v5 =	vpop (erf)  }
0x83: {  	v4 =	vadd.f32 $1.000000000e+00, v6;
	v3 =	vld [tilespmem:s31+$0xA00];
	[tilespmem:s23+$0xC10] =	vst v5;
	s23 =	smov.u32 s24;
	s24 =	smov.u32 s25;
	s25 =	smov.u32 s26  }
0x84: {  	s26 =	smov.u32 s28;
	s28 =	smov.u32 s29;
	s29 =	smov.u32 s31;
	v5 =	vadd.f32 v7, v0;
	(erf) = vpow2.f32 v8  }
0x85: {  	_ = 	snop  }
0x86: {  	v1 =	vadd.f32 v2, v1;
	_ =	sdelay $0x1  }
0x87: {  	v1 =	vadd.f32 v3, v1;
	_ =	sdelay $0x1  }
0x88: {  	v52 =	vsub.f32 $0.0e+00, v5;
	v0 =	vadd.f32 v1, v0;
	_ =	sdelay $0x1  }
0x89: {  	v53 =	vpop (erf);
	v2 =	vmul.f32 $1.442695020e+00, v52;
	v0 =	vsub.f32 $0.0e+00, v0  }
0x8a: {  	(erf) = vrcp.f32 v4;
	v1 =	vadd.f32 $1.000000000e+00, v53  }
0x8b: {  	(erf) = vpow2.f32 v2;
	v0 =	vmul.f32 $1.442695020e+00, v0  }
0x8c: {  	(erf) = vrcp.f32 v1  }
0x8d: {  	(erf) = vpow2.f32 v0;
	_ =	sdelay $0x3  }
0x8e: {  	v54 =	vpop (erf)  }
0x8f: {  	v55 =	vpop (erf)  }
0x90: {  	v56 =	vpop (erf)  }
0x91: {  	v57 =	vpop (erf)  }
0x92: {  	v1 =	vadd.f32 $1.000000000e+00, v55;
	v58 =	vpop (erf)  }
0x93: {  	v3 =	vadd.f32 $1.000000000e+00, v57;
	v59 =	vpop (erf)  }
0x94: {  	(erf) = vrcp.f32 v1;
	v60 =	vadd.f32 $1.000000000e+00, v59  }
0x95: {  	(erf) = vrcp.f32 v3  }
0x96: {  	(erf) = vrcp.f32 v60;
	_ =	sdelay $0x4  }
0x97: {  	[tilespmem:s23+$0xC10] =	vst v54  }
0x98: {  	[tilespmem:s24+$0xC10] =	vst v56  }
0x99: {  	[tilespmem:s25+$0xC10] =	vst v58;
	v61 =	vpop (erf)  }
0x9a: {  	s22 =	sadd.s32 $0x1, s22;
	[tilespmem:s26+$0xC10] =	vst v61;
	v62 =	vpop (erf)  }
0x9b: {  	p0 =	sne.s32 s22, s11;
	[tilespmem:s28+$0xC10] =	vst v62;
	v63 =	vpop (erf)  }
.Ltmp1:
0x9c: {  	[tilespmem:s29+$0xC10] =	vst v63;
	(pc) =	sbr.rel @p0 .LBB2_1-.Ltmp1, $4  }
0x9d: {  	[hbm4b:s10+s1] =	stream.linear.scatter [tilespmem:s20], [sflag:$0x2], $0x200, $0x38;
	[tilespmem:$0xE10] =	vst v63  }
0x9e: {  	_ =	swait.ge [sflag:s21], $0x200  }
0x9f: {  	[sflag:s21] =	ssyncset.done $0x0  }
0xa0: {  	[sflag:s21] =	ssyncadd.s32 $0xFFFFFE00  }
0xa1: {  	_ =	sfence.sel $0x180000  }
0xa2: {  	[bflag:$0x0] =	sbarrier.arrive $0xFFFF  }
0xa3: {  	_ =	strace $0x90000047  }
0xa4: {  	s0 =	stileid.u32;
	[bflag:$0x2] =	sbarrier.arrive $0xFFFF  }
0xa5: {  	p0 =	sne.s32 s0, $0x0;
	s0 =	rddreg [dreg:$0x5]  }
0xa6: {  	s0 =	sadd.s32 @!p0 $0x100000, s0  }
0xa7: {  	[sflag:s0] =	ssyncadd.tile.s32 @!p0 $0x1;
	_ =	shalt  }
.Lfunc_end2:
_tile_overlayer_lowered:
.L_overlay_start_2:
0xa8: {  	(tag) =	ssettag $0x2  }
0xa9: {  	s0 =	rddreg [dreg:$0x0];
	s2 =	stileid.u32  }
0xaa: {  	s1 =	rddreg [dreg:$0x1];
	p0 =	sne.s32 s2, $0x0  }
0xab: {  	s3 =	rddreg [dreg:$0x2];
	[bflag:$0x3] =	sbarrier.arrive $0xFFFF;
	s2 =	simm.s32 @!p0 $0x1C02  }
0xac: {  	[timem:s3], [sflag:s2] =	dma.local @!p0 [hbm:s0], s1  }
0xad: {  	s0 =	simm.s32 @!p0 $0x2  }
0xae: {  	_ =	swait.ge @!p0 [sflag:s0], s1  }
0xaf: {  	s1 =	ssub.s32 @!p0 $0x0, s1;
	[sflag:s0] =	ssyncset.done @!p0 $0x0  }
0xb0: {  	[sflag:s0] =	ssyncadd.s32 @!p0 s1  }
0xb1: {  	[bflag:$0x3] =	sbarrier.arrive $0xFFFF  }
0xb2: {  	_ =	shalt  }

</sc_bundles>
